<compile_context>
chip_gen: v7x
topology: tpu7x:2x2x1
jax: 0.10.2.dev20260603
libtpu: 0.0.44.dev20260713+nightly
codegen_flags: <defaults>
</compile_context>

<pallas_src>
import functools

import jax
import jax.numpy as jnp
from jax import lax
from jax.experimental import pallas as pl
from jax.experimental.pallas import tpu as pltpu
from jax.experimental.pallas import tpu_sc as plsc

NC = 2
NS = 16
K = 128
D = 128


def _mesh():
    return plsc.VectorSubcoreMesh(
        core_axis_name="c", subcore_axis_name="s", num_cores=NC, num_subcores=NS
    )


def _agg_kernel(acc_rows, nch0, nch1, gather, gsplit=2):
    stripe = acc_rows // NS
    sub = K // gsplit
    sec = 40
    assert nch0 % sec == 0 and nch1 % sec == 0
    scratch = [
        pltpu.VMEM_SHARED((acc_rows, D), jnp.float32),
        pltpu.VMEM((sec, K), jnp.int32),
        pltpu.VMEM((sec, K), jnp.int32),
        pltpu.VMEM((K, D), jnp.float32),
    ]
    if gather:
        scratch += [pltpu.SemaphoreType.DMA] * gsplit

    @functools.partial(
        pl.kernel,
        out_type=jax.ShapeDtypeStruct((NC, acc_rows, D), jnp.float32),
        mesh=_mesh(),
        scratch_types=scratch,
    )
    def k(*refs):
        if gather:
            (y_hbm, srcc_hbm, dstc_hbm, zeros_hbm, out_hbm, acc, src_v, dst_v, rows_v) = refs[:9]
            gsems = refs[9:]
        else:
            (ones_hbm, srcc_hbm, dstc_hbm, zeros_hbm, out_hbm, acc, src_v, dst_v, rows_v) = refs
        cid = lax.axis_index("c")
        sid = lax.axis_index("s")
        pltpu.sync_copy(zeros_hbm, acc.at[pl.ds(sid * stripe, stripe)])
        base = jnp.where(cid == 0, sid * nch0, NS * nch0 + sid * nch1)

        if not gather:
            pltpu.sync_copy(ones_hbm, rows_v)
        plsc.subcore_barrier()

        def body(j, carry):
            r = lax.rem(j, sec)

            @pl.when(r == 0)
            def _():
                off = pl.multiple_of(base + j, 8)
                pltpu.sync_copy(srcc_hbm.at[pl.ds(off, sec)], src_v)
                pltpu.sync_copy(dstc_hbm.at[pl.ds(off, sec)], dst_v)

            if gather:
                cps = [
                    pltpu.async_copy(
                        y_hbm.at[src_v.at[r, pl.ds(g * sub, sub)]],
                        rows_v.at[pl.ds(g * sub, sub)],
                        gsems[g],
                    )
                    for g in range(gsplit)
                ]
                for cp in cps:
                    cp.wait()
            pltpu.sync_copy(rows_v, acc.at[dst_v.at[r]], add=True)
            return carry

        nch_c = jnp.where(cid == 0, nch0, nch1)
        lax.fori_loop(0, nch_c, body, 0)
        plsc.subcore_barrier()
        pltpu.sync_copy(
            acc.at[pl.ds(sid * stripe, stripe)],
            out_hbm.at[cid, pl.ds(sid * stripe, stripe)],
        )

    return k


def _tc_scale_x(x, dega, degb, br):
    n, din = x.shape

    def body(x_ref, da_ref, db_ref, y_ref):
        deg = da_ref[...] + db_ref[...] + 1.0
        y_ref[...] = lax.rsqrt(deg) * x_ref[...]

    return pl.pallas_call(
        body,
        grid=(n // br,),
        in_specs=[
            pl.BlockSpec((br, din), lambda i: (i, 0)),
            pl.BlockSpec((br, 1), lambda i: (i, 0)),
            pl.BlockSpec((br, 1), lambda i: (i, 0)),
        ],
        out_specs=pl.BlockSpec((br, din), lambda i: (i, 0)),
        out_shape=jax.ShapeDtypeStruct((n, din), jnp.float32),
    )(x, dega, degb)


def _tc_mid(z1a, z1b, y1, dega, degb, w1, b1, w2p, br):
    n, din = y1.shape
    dh = w1.shape[1]
    d2 = w2p.shape[1]

    def body(za_ref, zb_ref, y1_ref, da_ref, db_ref, w1_ref, b1_ref, w2_ref, y2_ref):
        deg = da_ref[...] + db_ref[...] + 1.0
        dis = lax.rsqrt(deg)
        agg = dis * (za_ref[...] + zb_ref[...] + y1_ref[...])
        h = jnp.dot(agg, w1_ref[...], preferred_element_type=jnp.float32)
        h = jnp.maximum(h + b1_ref[...], 0.0)
        t = jnp.dot(h, w2_ref[...], preferred_element_type=jnp.float32)
        y2_ref[...] = dis * t

    return pl.pallas_call(
        body,
        grid=(n // br,),
        in_specs=[
            pl.BlockSpec((br, din), lambda i: (i, 0)),
            pl.BlockSpec((br, din), lambda i: (i, 0)),
            pl.BlockSpec((br, din), lambda i: (i, 0)),
            pl.BlockSpec((br, 1), lambda i: (i, 0)),
            pl.BlockSpec((br, 1), lambda i: (i, 0)),
            pl.BlockSpec((din, dh), lambda i: (0, 0)),
            pl.BlockSpec((1, dh), lambda i: (0, 0)),
            pl.BlockSpec((dh, d2), lambda i: (0, 0)),
        ],
        out_specs=pl.BlockSpec((br, d2), lambda i: (i, 0)),
        out_shape=jax.ShapeDtypeStruct((n, d2), jnp.float32),
    )(z1a, z1b, y1, dega, degb, w1, b1, w2p)


def _tc_final(z2a, z2b, y2, dega, degb, b2p, dc, br):
    n, d2 = y2.shape

    def body(za_ref, zb_ref, y2_ref, da_ref, db_ref, b2_ref, o_ref):
        deg = da_ref[...] + db_ref[...] + 1.0
        dis = lax.rsqrt(deg)
        v = dis * (za_ref[...] + zb_ref[...] + y2_ref[...]) + b2_ref[...]
        m = jnp.max(v, axis=1, keepdims=True)
        s = jnp.sum(jnp.exp(v - m), axis=1, keepdims=True)
        o_ref[...] = (v - m - jnp.log(s))[:, :dc]

    return pl.pallas_call(
        body,
        grid=(n // br,),
        in_specs=[
            pl.BlockSpec((br, d2), lambda i: (i, 0)),
            pl.BlockSpec((br, d2), lambda i: (i, 0)),
            pl.BlockSpec((br, d2), lambda i: (i, 0)),
            pl.BlockSpec((br, 1), lambda i: (i, 0)),
            pl.BlockSpec((br, 1), lambda i: (i, 0)),
            pl.BlockSpec((1, d2), lambda i: (0, 0)),
        ],
        out_specs=pl.BlockSpec((br, dc), lambda i: (i, 0)),
        out_shape=jax.ShapeDtypeStruct((n, dc), jnp.float32),
    )(z2a, z2b, y2, dega, degb, b2p)


def kernel(x, edge_index, W1, b1, W2, b2):
    n, din = x.shape
    e = edge_index.shape[1]
    dh = W1.shape[1]
    dc = W2.shape[1]
    br = 1000

    nw = NC * NS
    nch_w = -(-e // (K * nw * 8)) * 8
    nch1 = nch_w // 2
    nch0 = 2 * nch_w - nch1
    cht = nch_w * nw
    epad = cht * K
    acc_rows = ((n + NS) + NS * 8 - 1) // (NS * 8) * (NS * 8)
    stripe = acc_rows // NS

    src = edge_index[0]
    dst = edge_index[1]
    pad = epad - e
    srcc = jnp.concatenate([src, jnp.zeros((pad,), jnp.int32)]).reshape(cht, K)
    dstc = jnp.concatenate([dst, jnp.full((pad,), n, jnp.int32)]).reshape(cht, K)

    onesKD = jnp.ones((K, D), jnp.float32)
    zerosD = jnp.zeros((stripe, D), jnp.float32)
    w2p = jnp.pad(W2, ((0, 0), (0, D - dc)))
    b2p = jnp.pad(b2, (0, D - dc), constant_values=-1e30).reshape(1, D)
    b1r = b1.reshape(1, dh)

    degp = _agg_kernel(acc_rows, nch_w, nch_w, gather=False)(onesKD, srcc, dstc, zerosD)
    dega = degp[0, :n, 0:1]
    degb = degp[1, :n, 0:1]

    y1 = _tc_scale_x(x, dega, degb, br)

    z1p = _agg_kernel(acc_rows, nch0, nch1, gather=True)(y1, srcc, dstc, zerosD)

    y2 = _tc_mid(z1p[0, :n, :], z1p[1, :n, :], y1, dega, degb, W1, b1r, w2p, br)

    z2p = _agg_kernel(acc_rows, nch0, nch1, gather=True)(y2, srcc, dstc, zerosD)

    return _tc_final(z2p[0, :n, :], z2p[1, :n, :], y2, dega, degb, b2p, dc, br)

# --- scband reference (transcript-rebuilt; emitter-appended) ---
"""Pipeline reference for scband-gcn-reddit-51118700757721 (READ-ONLY COPY).

The authoritative reference and input builder live on the scoring server;
editing this copy changes nothing except your own understanding.
"""

import jax, jax.numpy as jnp
import numpy as np

N = 10000
E = 320000
DIN = 128
DH = 256
DC = 42

def setup_inputs(seed: int = 0) -> dict:
    key = jax.random.key(seed)
    k1, k2, k3, k4, k5, k6 = jax.random.split(key, 6)
    x = jax.random.normal(k1, (N, DIN), dtype=jnp.float32)
    edge_index = jax.random.randint(k2, (2, E), 0, N, dtype=jnp.int32)
    W1 = jax.random.normal(k3, (DIN, DH), dtype=jnp.float32) * (1.0 / np.sqrt(DIN))
    b1 = jnp.zeros((DH,), dtype=jnp.float32)
    W2 = jax.random.normal(k4, (DH, DC), dtype=jnp.float32) * (1.0 / np.sqrt(DH))
    b2 = jnp.zeros((DC,), dtype=jnp.float32)
    return {"x": x, "edge_index": edge_index, "W1": W1, "b1": b1, "W2": W2, "b2": b2}

def _gcn_conv(x, edge_index, W, b, num_nodes):
    # GCNConv with add_self_loops=True and symmetric normalization (PyG default)
    src = edge_index[0]
    dst = edge_index[1]
    loop = jnp.arange(num_nodes, dtype=src.dtype)
    s = jnp.concatenate([src, loop])
    d = jnp.concatenate([dst, loop])
    deg = jnp.zeros((num_nodes,), dtype=x.dtype).at[d].add(1.0)
    deg_inv_sqrt = jax.lax.rsqrt(deg)
    deg_inv_sqrt = jnp.where(jnp.isinf(deg_inv_sqrt), 0.0, deg_inv_sqrt)
    norm = deg_inv_sqrt[s] * deg_inv_sqrt[d]
    xw = x @ W
    msg = xw[s] * norm[:, None]
    out = jnp.zeros((num_nodes, W.shape[1]), dtype=x.dtype).at[d].add(msg)
    return out + b

def reference(x, edge_index, W1, b1, W2, b2):
    h = _gcn_conv(x, edge_index, W1, b1, N)
    h = jax.nn.relu(h)
    # dropout p=0.0 -> identity
    h = _gcn_conv(h, edge_index, W2, b2, N)
    return jax.nn.log_softmax(h, axis=1)

if __name__ == "__main__":
    import jax
    _d = setup_inputs()
    print(jax.jit(kernel)(*tuple(_d.values())))

</pallas_src>

<mosaic_0001>
#map = affine_map<(d0, d1) -> (0, 0)>
#map1 = affine_map<(d0, d1) -> (0, 0, 0)>
module attributes {stable_mosaic.version = 14 : i64} {
  func.func @k(%arg0: i32, %arg1: i32, %arg2: memref<128x128xf32, #tpu.memory_space<hbm>>, %arg3: memref<2560x128xi32, #tpu.memory_space<hbm>>, %arg4: memref<2560x128xi32, #tpu.memory_space<hbm>>, %arg5: memref<632x128xf32, #tpu.memory_space<hbm>>, %arg6: memref<2x10112x128xf32, #tpu.memory_space<hbm>>, %arg7: memref<10112x128xf32, #tpu.memory_space<vmem_shared>>, %arg8: memref<40x128xi32, #tpu.memory_space<vmem>>, %arg9: memref<40x128xi32, #tpu.memory_space<vmem>>, %arg10: memref<128x128xf32, #tpu.memory_space<vmem>>) attributes {dimension_semantics = [#tpu.dimension_semantics<core_parallel>, #tpu.dimension_semantics<subcore_parallel>], iteration_bounds = array<i64: 2, 16>, scalar_prefetch = 0 : i64, scratch_operands = 4 : i64, tpu.core_type = #tpu.core_type<sc_vector_subcore>, window_params = [{transform_indices = #map}, {transform_indices = #map}, {transform_indices = #map}, {transform_indices = #map}, {transform_indices = #map1}]} {
    %mul3A = arith.constant 632 : i32
    %mul3A_0 = arith.muli %arg1, %mul3A : i32
    "tpu.region"() ({
      %run_scoped3A = tpu.sem_alloc : memref<!tpu.dma_semaphore, #tpu.memory_space<semaphore_mem>>
      %dma_start3A = arith.constant 0 : i32
      %dma_start3A_25 = tpu.memref_slice %arg7[%mul3A_0, %dma_start3A] : memref<10112x128xf32, #tpu.memory_space<vmem_shared>> -> memref<632x128xf32, #tpu.memory_space<vmem_shared>>
      tpu.enqueue_dma source(%arg5 : memref<632x128xf32, #tpu.memory_space<hbm>>) target(%dma_start3A_25 : memref<632x128xf32, #tpu.memory_space<vmem_shared>>) target_semaphore(%run_scoped3A : memref<!tpu.dma_semaphore, #tpu.memory_space<semaphore_mem>>)
      %dma_wait3A = arith.constant 0 : i32
      %dma_wait3A_26 = tpu.memref_slice %arg7[%mul3A_0, %dma_wait3A] : memref<10112x128xf32, #tpu.memory_space<vmem_shared>> -> memref<632x128xf32, #tpu.memory_space<vmem_shared>>
      tpu.wait_dma2 semaphore(%run_scoped3A : memref<!tpu.dma_semaphore, #tpu.memory_space<semaphore_mem>>) src(%arg5 : memref<632x128xf32, #tpu.memory_space<hbm>>) dst(%dma_wait3A_26 : memref<632x128xf32, #tpu.memory_space<vmem_shared>>)
      tpu.yield
    }) : () -> ()
    %eq3A = arith.constant 0 : i32
    %eq3A_1 = arith.cmpi eq, %arg0, %eq3A : i32
    %mul3A_2 = arith.constant 80 : i32
    %mul3A_3 = arith.muli %arg1, %mul3A_2 : i32
    %mul3A_4 = arith.constant 80 : i32
    %mul3A_5 = arith.muli %arg1, %mul3A_4 : i32
    %add3A = arith.constant 1280 : i32
    %add3A_6 = arith.addi %add3A, %mul3A_5 : i32
    %select_n3A = arith.select %eq3A_1, %mul3A_3, %add3A_6 : i32
    "tpu.region"() ({
      %run_scoped3A = tpu.sem_alloc : memref<!tpu.dma_semaphore, #tpu.memory_space<semaphore_mem>>
      tpu.enqueue_dma source(%arg2 : memref<128x128xf32, #tpu.memory_space<hbm>>) target(%arg10 : memref<128x128xf32, #tpu.memory_space<vmem>>) target_semaphore(%run_scoped3A : memref<!tpu.dma_semaphore, #tpu.memory_space<semaphore_mem>>)
      tpu.wait_dma2 semaphore(%run_scoped3A : memref<!tpu.dma_semaphore, #tpu.memory_space<semaphore_mem>>) src(%arg2 : memref<128x128xf32, #tpu.memory_space<hbm>>) dst(%arg10 : memref<128x128xf32, #tpu.memory_space<vmem>>)
      tpu.yield
    }) : () -> ()
    %barrier3A = arith.constant 0 : index
    tpu.barrier barrier_id(%barrier3A)
    %eq3A_7 = arith.constant 0 : i32
    %eq3A_8 = arith.cmpi eq, %arg0, %eq3A_7 : i32
    %jit3A = arith.constant 80 : i32
    %jit3A_9 = arith.constant 80 : i32
    %select_n3A_10 = arith.select %eq3A_8, %jit3A, %jit3A_9 : i32
    %while3A = arith.constant 0 : i32
    %while3A_11 = arith.constant 0 : i32
    %while3A_12 = arith.subi %select_n3A_10, %while3A_11 : i32
    %while3A_13 = arith.addi %while3A_11, %while3A_12 : i32
    %while3A_14 = arith.constant 1 : i32
    %while3A_15 = arith.divsi %while3A_12, %while3A_14 : i32
    %while3A_16 = arith.muli %while3A_15, %while3A_14 : i32
    %while3A_17 = arith.addi %while3A_11, %while3A_16 : i32
    %while3A_18 = arith.constant 1 : i32
    scf.for %while3A_25 = %while3A_11 to %while3A_17 step %while3A_18  : i32 {
      %rem3A = arith.constant 40 : i32
      %rem3A_26 = arith.remsi %while3A_25, %rem3A : i32
      %eq3A_27 = arith.constant 0 : i32
      %eq3A_28 = arith.cmpi eq, %rem3A_26, %eq3A_27 : i32
      %convert_element_type3A = arith.extui %eq3A_28 : i1 to i32
      %cond3A = arith.constant 0 : i32
      %cond3A_29 = arith.cmpi ne, %convert_element_type3A, %cond3A : i32
      scf.if %cond3A_29 {
        %add3A_30 = arith.addi %select_n3A, %while3A_25 : i32
        %multiple_of3A = tpu.assume_multiple %add3A_30, 8 : i32
        "tpu.region"() ({
          %run_scoped3A = tpu.sem_alloc : memref<!tpu.dma_semaphore, #tpu.memory_space<semaphore_mem>>
          %dma_start3A = arith.constant 0 : i32
          %dma_start3A_31 = tpu.memref_slice %arg3[%multiple_of3A, %dma_start3A] : memref<2560x128xi32, #tpu.memory_space<hbm>> -> memref<40x128xi32, #tpu.memory_space<hbm>>
          %dma_start3A_32 = arith.constant 0 : i32
          %dma_start3A_33 = tpu.memref_slice %arg3[%multiple_of3A, %dma_start3A_32] : memref<2560x128xi32, #tpu.memory_space<hbm>> -> memref<40x128xi32, #tpu.memory_space<hbm>>
          tpu.enqueue_dma source(%dma_start3A_33 : memref<40x128xi32, #tpu.memory_space<hbm>>) target(%arg8 : memref<40x128xi32, #tpu.memory_space<vmem>>) target_semaphore(%run_scoped3A : memref<!tpu.dma_semaphore, #tpu.memory_space<semaphore_mem>>)
          %dma_wait3A = arith.constant 0 : i32
          %dma_wait3A_34 = tpu.memref_slice %arg3[%multiple_of3A, %dma_wait3A] : memref<2560x128xi32, #tpu.memory_space<hbm>> -> memref<40x128xi32, #tpu.memory_space<hbm>>
          %dma_wait3A_35 = arith.constant 0 : i32
          %dma_wait3A_36 = tpu.memref_slice %arg3[%multiple_of3A, %dma_wait3A_35] : memref<2560x128xi32, #tpu.memory_space<hbm>> -> memref<40x128xi32, #tpu.memory_space<hbm>>
          tpu.wait_dma2 semaphore(%run_scoped3A : memref<!tpu.dma_semaphore, #tpu.memory_space<semaphore_mem>>) src(%dma_wait3A_36 : memref<40x128xi32, #tpu.memory_space<hbm>>) dst(%arg8 : memref<40x128xi32, #tpu.memory_space<vmem>>)
          tpu.yield
        }) : () -> ()
        "tpu.region"() ({
          %run_scoped3A = tpu.sem_alloc : memref<!tpu.dma_semaphore, #tpu.memory_space<semaphore_mem>>
          %dma_start3A = arith.constant 0 : i32
          %dma_start3A_31 = tpu.memref_slice %arg4[%multiple_of3A, %dma_start3A] : memref<2560x128xi32, #tpu.memory_space<hbm>> -> memref<40x128xi32, #tpu.memory_space<hbm>>
          %dma_start3A_32 = arith.constant 0 : i32
          %dma_start3A_33 = tpu.memref_slice %arg4[%multiple_of3A, %dma_start3A_32] : memref<2560x128xi32, #tpu.memory_space<hbm>> -> memref<40x128xi32, #tpu.memory_space<hbm>>
          tpu.enqueue_dma source(%dma_start3A_33 : memref<40x128xi32, #tpu.memory_space<hbm>>) target(%arg9 : memref<40x128xi32, #tpu.memory_space<vmem>>) target_semaphore(%run_scoped3A : memref<!tpu.dma_semaphore, #tpu.memory_space<semaphore_mem>>)
          %dma_wait3A = arith.constant 0 : i32
          %dma_wait3A_34 = tpu.memref_slice %arg4[%multiple_of3A, %dma_wait3A] : memref<2560x128xi32, #tpu.memory_space<hbm>> -> memref<40x128xi32, #tpu.memory_space<hbm>>
          %dma_wait3A_35 = arith.constant 0 : i32
          %dma_wait3A_36 = tpu.memref_slice %arg4[%multiple_of3A, %dma_wait3A_35] : memref<2560x128xi32, #tpu.memory_space<hbm>> -> memref<40x128xi32, #tpu.memory_space<hbm>>
          tpu.wait_dma2 semaphore(%run_scoped3A : memref<!tpu.dma_semaphore, #tpu.memory_space<semaphore_mem>>) src(%dma_wait3A_36 : memref<40x128xi32, #tpu.memory_space<hbm>>) dst(%arg9 : memref<40x128xi32, #tpu.memory_space<vmem>>)
          tpu.yield
        }) : () -> ()
      } else {
      }
      "tpu.region"() ({
        %run_scoped3A = tpu.sem_alloc : memref<!tpu.dma_semaphore, #tpu.memory_space<semaphore_mem>>
        %dma_start3A = arith.constant 0 : i32
        %dma_start3A_30 = tpu.memref_slice %arg9[%rem3A_26, %dma_start3A] : memref<40x128xi32, #tpu.memory_space<vmem>> -> memref<1x128xi32, #tpu.memory_space<vmem>>
        %dma_start3A_31 = tpu.memref_squeeze %dma_start3A_30 : memref<1x128xi32, #tpu.memory_space<vmem>> -> memref<128xi32, #tpu.memory_space<vmem>>
        %dma_start3A_32 = arith.constant 0 : i32
        %dma_start3A_33 = arith.constant 0 : i32
        %dma_start3A_34 = tpu.memref_slice %arg7[%dma_start3A_32, %dma_start3A_33] : memref<10112x128xf32, #tpu.memory_space<vmem_shared>> -> memref<10112x128xf32, #tpu.memory_space<vmem_shared>>
        tpu.enqueue_indirect_dma source(%arg10 : memref<128x128xf32, #tpu.memory_space<vmem>>) target(%dma_start3A_34 : memref<10112x128xf32, #tpu.memory_space<vmem_shared>>) offsets(%dma_start3A_31 : memref<128xi32, #tpu.memory_space<vmem>>) semaphore(%run_scoped3A : memref<!tpu.dma_semaphore, #tpu.memory_space<semaphore_mem>>) {add = true}
        %dma_wait3A = arith.constant 0 : i32
        %dma_wait3A_35 = tpu.memref_slice %arg9[%rem3A_26, %dma_wait3A] : memref<40x128xi32, #tpu.memory_space<vmem>> -> memref<1x128xi32, #tpu.memory_space<vmem>>
        %dma_wait3A_36 = tpu.memref_squeeze %dma_wait3A_35 : memref<1x128xi32, #tpu.memory_space<vmem>> -> memref<128xi32, #tpu.memory_space<vmem>>
        %dma_wait3A_37 = arith.constant 0 : i32
        %dma_wait3A_38 = arith.constant 0 : i32
        %dma_wait3A_39 = tpu.memref_slice %arg7[%dma_wait3A_37, %dma_wait3A_38] : memref<10112x128xf32, #tpu.memory_space<vmem_shared>> -> memref<10112x128xf32, #tpu.memory_space<vmem_shared>>
        tpu.wait_indirect_dma semaphore(%run_scoped3A : memref<!tpu.dma_semaphore, #tpu.memory_space<semaphore_mem>>) src(%arg10 : memref<128x128xf32, #tpu.memory_space<vmem>>) dst(%dma_wait3A_39 : memref<10112x128xf32, #tpu.memory_space<vmem_shared>>)
        tpu.yield
      }) : () -> ()
    }
    %while3A_19 = arith.constant 1 : i32
    scf.for %while3A_25 = %while3A_17 to %while3A_13 step %while3A_19  : i32 {
      %rem3A = arith.constant 40 : i32
      %rem3A_26 = arith.remsi %while3A_25, %rem3A : i32
      %eq3A_27 = arith.constant 0 : i32
      %eq3A_28 = arith.cmpi eq, %rem3A_26, %eq3A_27 : i32
      %convert_element_type3A = arith.extui %eq3A_28 : i1 to i32
      %cond3A = arith.constant 0 : i32
      %cond3A_29 = arith.cmpi ne, %convert_element_type3A, %cond3A : i32
      scf.if %cond3A_29 {
        %add3A_30 = arith.addi %select_n3A, %while3A_25 : i32
        %multiple_of3A = tpu.assume_multiple %add3A_30, 8 : i32
        "tpu.region"() ({
          %run_scoped3A = tpu.sem_alloc : memref<!tpu.dma_semaphore, #tpu.memory_space<semaphore_mem>>
          %dma_start3A = arith.constant 0 : i32
          %dma_start3A_31 = tpu.memref_slice %arg3[%multiple_of3A, %dma_start3A] : memref<2560x128xi32, #tpu.memory_space<hbm>> -> memref<40x128xi32, #tpu.memory_space<hbm>>
          %dma_start3A_32 = arith.constant 0 : i32
          %dma_start3A_33 = tpu.memref_slice %arg3[%multiple_of3A, %dma_start3A_32] : memref<2560x128xi32, #tpu.memory_space<hbm>> -> memref<40x128xi32, #tpu.memory_space<hbm>>
          tpu.enqueue_dma source(%dma_start3A_33 : memref<40x128xi32, #tpu.memory_space<hbm>>) target(%arg8 : memref<40x128xi32, #tpu.memory_space<vmem>>) target_semaphore(%run_scoped3A : memref<!tpu.dma_semaphore, #tpu.memory_space<semaphore_mem>>)
          %dma_wait3A = arith.constant 0 : i32
          %dma_wait3A_34 = tpu.memref_slice %arg3[%multiple_of3A, %dma_wait3A] : memref<2560x128xi32, #tpu.memory_space<hbm>> -> memref<40x128xi32, #tpu.memory_space<hbm>>
          %dma_wait3A_35 = arith.constant 0 : i32
          %dma_wait3A_36 = tpu.memref_slice %arg3[%multiple_of3A, %dma_wait3A_35] : memref<2560x128xi32, #tpu.memory_space<hbm>> -> memref<40x128xi32, #tpu.memory_space<hbm>>
          tpu.wait_dma2 semaphore(%run_scoped3A : memref<!tpu.dma_semaphore, #tpu.memory_space<semaphore_mem>>) src(%dma_wait3A_36 : memref<40x128xi32, #tpu.memory_space<hbm>>) dst(%arg8 : memref<40x128xi32, #tpu.memory_space<vmem>>)
          tpu.yield
        }) : () -> ()
        "tpu.region"() ({
          %run_scoped3A = tpu.sem_alloc : memref<!tpu.dma_semaphore, #tpu.memory_space<semaphore_mem>>
          %dma_start3A = arith.constant 0 : i32
          %dma_start3A_31 = tpu.memref_slice %arg4[%multiple_of3A, %dma_start3A] : memref<2560x128xi32, #tpu.memory_space<hbm>> -> memref<40x128xi32, #tpu.memory_space<hbm>>
          %dma_start3A_32 = arith.constant 0 : i32
          %dma_start3A_33 = tpu.memref_slice %arg4[%multiple_of3A, %dma_start3A_32] : memref<2560x128xi32, #tpu.memory_space<hbm>> -> memref<40x128xi32, #tpu.memory_space<hbm>>
          tpu.enqueue_dma source(%dma_start3A_33 : memref<40x128xi32, #tpu.memory_space<hbm>>) target(%arg9 : memref<40x128xi32, #tpu.memory_space<vmem>>) target_semaphore(%run_scoped3A : memref<!tpu.dma_semaphore, #tpu.memory_space<semaphore_mem>>)
          %dma_wait3A = arith.constant 0 : i32
          %dma_wait3A_34 = tpu.memref_slice %arg4[%multiple_of3A, %dma_wait3A] : memref<2560x128xi32, #tpu.memory_space<hbm>> -> memref<40x128xi32, #tpu.memory_space<hbm>>
          %dma_wait3A_35 = arith.constant 0 : i32
          %dma_wait3A_36 = tpu.memref_slice %arg4[%multiple_of3A, %dma_wait3A_35] : memref<2560x128xi32, #tpu.memory_space<hbm>> -> memref<40x128xi32, #tpu.memory_space<hbm>>
          tpu.wait_dma2 semaphore(%run_scoped3A : memref<!tpu.dma_semaphore, #tpu.memory_space<semaphore_mem>>) src(%dma_wait3A_36 : memref<40x128xi32, #tpu.memory_space<hbm>>) dst(%arg9 : memref<40x128xi32, #tpu.memory_space<vmem>>)
          tpu.yield
        }) : () -> ()
      } else {
      }
      "tpu.region"() ({
        %run_scoped3A = tpu.sem_alloc : memref<!tpu.dma_semaphore, #tpu.memory_space<semaphore_mem>>
        %dma_start3A = arith.constant 0 : i32
        %dma_start3A_30 = tpu.memref_slice %arg9[%rem3A_26, %dma_start3A] : memref<40x128xi32, #tpu.memory_space<vmem>> -> memref<1x128xi32, #tpu.memory_space<vmem>>
        %dma_start3A_31 = tpu.memref_squeeze %dma_start3A_30 : memref<1x128xi32, #tpu.memory_space<vmem>> -> memref<128xi32, #tpu.memory_space<vmem>>
        %dma_start3A_32 = arith.constant 0 : i32
        %dma_start3A_33 = arith.constant 0 : i32
        %dma_start3A_34 = tpu.memref_slice %arg7[%dma_start3A_32, %dma_start3A_33] : memref<10112x128xf32, #tpu.memory_space<vmem_shared>> -> memref<10112x128xf32, #tpu.memory_space<vmem_shared>>
        tpu.enqueue_indirect_dma source(%arg10 : memref<128x128xf32, #tpu.memory_space<vmem>>) target(%dma_start3A_34 : memref<10112x128xf32, #tpu.memory_space<vmem_shared>>) offsets(%dma_start3A_31 : memref<128xi32, #tpu.memory_space<vmem>>) semaphore(%run_scoped3A : memref<!tpu.dma_semaphore, #tpu.memory_space<semaphore_mem>>) {add = true}
        %dma_wait3A = arith.constant 0 : i32
        %dma_wait3A_35 = tpu.memref_slice %arg9[%rem3A_26, %dma_wait3A] : memref<40x128xi32, #tpu.memory_space<vmem>> -> memref<1x128xi32, #tpu.memory_space<vmem>>
        %dma_wait3A_36 = tpu.memref_squeeze %dma_wait3A_35 : memref<1x128xi32, #tpu.memory_space<vmem>> -> memref<128xi32, #tpu.memory_space<vmem>>
        %dma_wait3A_37 = arith.constant 0 : i32
        %dma_wait3A_38 = arith.constant 0 : i32
        %dma_wait3A_39 = tpu.memref_slice %arg7[%dma_wait3A_37, %dma_wait3A_38] : memref<10112x128xf32, #tpu.memory_space<vmem_shared>> -> memref<10112x128xf32, #tpu.memory_space<vmem_shared>>
        tpu.wait_indirect_dma semaphore(%run_scoped3A : memref<!tpu.dma_semaphore, #tpu.memory_space<semaphore_mem>>) src(%arg10 : memref<128x128xf32, #tpu.memory_space<vmem>>) dst(%dma_wait3A_39 : memref<10112x128xf32, #tpu.memory_space<vmem_shared>>)
        tpu.yield
      }) : () -> ()
    }
    %barrier3A_20 = arith.constant 0 : index
    tpu.barrier barrier_id(%barrier3A_20)
    %mul3A_21 = arith.constant 632 : i32
    %mul3A_22 = arith.muli %arg1, %mul3A_21 : i32
    %mul3A_23 = arith.constant 632 : i32
    %mul3A_24 = arith.muli %arg1, %mul3A_23 : i32
    "tpu.region"() ({
      %run_scoped3A = tpu.sem_alloc : memref<!tpu.dma_semaphore, #tpu.memory_space<semaphore_mem>>
      %dma_start3A = arith.constant 0 : i32
      %dma_start3A_25 = tpu.memref_slice %arg6[%arg0, %mul3A_24, %dma_start3A] : memref<2x10112x128xf32, #tpu.memory_space<hbm>> -> memref<1x632x128xf32, #tpu.memory_space<hbm>>
      %dma_start3A_26 = tpu.memref_squeeze %dma_start3A_25 : memref<1x632x128xf32, #tpu.memory_space<hbm>> -> memref<632x128xf32, #tpu.memory_space<hbm>>
      %dma_start3A_27 = arith.constant 0 : i32
      %dma_start3A_28 = tpu.memref_slice %arg7[%mul3A_22, %dma_start3A_27] : memref<10112x128xf32, #tpu.memory_space<vmem_shared>> -> memref<632x128xf32, #tpu.memory_space<vmem_shared>>
      tpu.enqueue_dma source(%dma_start3A_28 : memref<632x128xf32, #tpu.memory_space<vmem_shared>>) target(%dma_start3A_26 : memref<632x128xf32, #tpu.memory_space<hbm>>) target_semaphore(%run_scoped3A : memref<!tpu.dma_semaphore, #tpu.memory_space<semaphore_mem>>)
      %dma_wait3A = arith.constant 0 : i32
      %dma_wait3A_29 = tpu.memref_slice %arg6[%arg0, %mul3A_24, %dma_wait3A] : memref<2x10112x128xf32, #tpu.memory_space<hbm>> -> memref<1x632x128xf32, #tpu.memory_space<hbm>>
      %dma_wait3A_30 = tpu.memref_squeeze %dma_wait3A_29 : memref<1x632x128xf32, #tpu.memory_space<hbm>> -> memref<632x128xf32, #tpu.memory_space<hbm>>
      %dma_wait3A_31 = arith.constant 0 : i32
      %dma_wait3A_32 = tpu.memref_slice %arg7[%mul3A_22, %dma_wait3A_31] : memref<10112x128xf32, #tpu.memory_space<vmem_shared>> -> memref<632x128xf32, #tpu.memory_space<vmem_shared>>
      tpu.wait_dma2 semaphore(%run_scoped3A : memref<!tpu.dma_semaphore, #tpu.memory_space<semaphore_mem>>) src(%dma_wait3A_32 : memref<632x128xf32, #tpu.memory_space<vmem_shared>>) dst(%dma_wait3A_30 : memref<632x128xf32, #tpu.memory_space<hbm>>)
      tpu.yield
    }) : () -> ()
    return
  }
}

#map = affine_map<(d0, d1) -> (0, 0)>
#map1 = affine_map<(d0, d1) -> (0, 0, 0)>
module attributes {stable_mosaic.version = 14 : i64} {
  func.func @k(%arg0: i32, %arg1: i32, %arg2: memref<10000x128xf32, #tpu.memory_space<hbm>>, %arg3: memref<2560x128xi32, #tpu.memory_space<hbm>>, %arg4: memref<2560x128xi32, #tpu.memory_space<hbm>>, %arg5: memref<632x128xf32, #tpu.memory_space<hbm>>, %arg6: memref<2x10112x128xf32, #tpu.memory_space<hbm>>, %arg7: memref<10112x128xf32, #tpu.memory_space<vmem_shared>>, %arg8: memref<40x128xi32, #tpu.memory_space<vmem>>, %arg9: memref<40x128xi32, #tpu.memory_space<vmem>>, %arg10: memref<128x128xf32, #tpu.memory_space<vmem>>, %arg11: memref<!tpu.dma_semaphore, #tpu.memory_space<semaphore_mem>>, %arg12: memref<!tpu.dma_semaphore, #tpu.memory_space<semaphore_mem>>) attributes {dimension_semantics = [#tpu.dimension_semantics<core_parallel>, #tpu.dimension_semantics<subcore_parallel>], iteration_bounds = array<i64: 2, 16>, scalar_prefetch = 0 : i64, scratch_operands = 6 : i64, tpu.core_type = #tpu.core_type<sc_vector_subcore>, window_params = [{transform_indices = #map}, {transform_indices = #map}, {transform_indices = #map}, {transform_indices = #map}, {transform_indices = #map1}]} {
    %mul3A = arith.constant 632 : i32
    %mul3A_0 = arith.muli %arg1, %mul3A : i32
    "tpu.region"() ({
      %run_scoped3A = tpu.sem_alloc : memref<!tpu.dma_semaphore, #tpu.memory_space<semaphore_mem>>
      %dma_start3A = arith.constant 0 : i32
      %dma_start3A_25 = tpu.memref_slice %arg7[%mul3A_0, %dma_start3A] : memref<10112x128xf32, #tpu.memory_space<vmem_shared>> -> memref<632x128xf32, #tpu.memory_space<vmem_shared>>
      tpu.enqueue_dma source(%arg5 : memref<632x128xf32, #tpu.memory_space<hbm>>) target(%dma_start3A_25 : memref<632x128xf32, #tpu.memory_space<vmem_shared>>) target_semaphore(%run_scoped3A : memref<!tpu.dma_semaphore, #tpu.memory_space<semaphore_mem>>)
      %dma_wait3A = arith.constant 0 : i32
      %dma_wait3A_26 = tpu.memref_slice %arg7[%mul3A_0, %dma_wait3A] : memref<10112x128xf32, #tpu.memory_space<vmem_shared>> -> memref<632x128xf32, #tpu.memory_space<vmem_shared>>
      tpu.wait_dma2 semaphore(%run_scoped3A : memref<!tpu.dma_semaphore, #tpu.memory_space<semaphore_mem>>) src(%arg5 : memref<632x128xf32, #tpu.memory_space<hbm>>) dst(%dma_wait3A_26 : memref<632x128xf32, #tpu.memory_space<vmem_shared>>)
      tpu.yield
    }) : () -> ()
    %eq3A = arith.constant 0 : i32
    %eq3A_1 = arith.cmpi eq, %arg0, %eq3A : i32
    %mul3A_2 = arith.constant 120 : i32
    %mul3A_3 = arith.muli %arg1, %mul3A_2 : i32
    %mul3A_4 = arith.constant 40 : i32
    %mul3A_5 = arith.muli %arg1, %mul3A_4 : i32
    %add3A = arith.constant 1920 : i32
    %add3A_6 = arith.addi %add3A, %mul3A_5 : i32
    %select_n3A = arith.select %eq3A_1, %mul3A_3, %add3A_6 : i32
    %barrier3A = arith.constant 0 : index
    tpu.barrier barrier_id(%barrier3A)
    %eq3A_7 = arith.constant 0 : i32
    %eq3A_8 = arith.cmpi eq, %arg0, %eq3A_7 : i32
    %jit3A = arith.constant 120 : i32
    %jit3A_9 = arith.constant 40 : i32
    %select_n3A_10 = arith.select %eq3A_8, %jit3A, %jit3A_9 : i32
    %while3A = arith.constant 0 : i32
    %while3A_11 = arith.constant 0 : i32
    %while3A_12 = arith.subi %select_n3A_10, %while3A_11 : i32
    %while3A_13 = arith.addi %while3A_11, %while3A_12 : i32
    %while3A_14 = arith.constant 1 : i32
    %while3A_15 = arith.divsi %while3A_12, %while3A_14 : i32
    %while3A_16 = arith.muli %while3A_15, %while3A_14 : i32
    %while3A_17 = arith.addi %while3A_11, %while3A_16 : i32
    %while3A_18 = arith.constant 1 : i32
    scf.for %while3A_25 = %while3A_11 to %while3A_17 step %while3A_18  : i32 {
      %rem3A = arith.constant 40 : i32
      %rem3A_26 = arith.remsi %while3A_25, %rem3A : i32
      %eq3A_27 = arith.constant 0 : i32
      %eq3A_28 = arith.cmpi eq, %rem3A_26, %eq3A_27 : i32
      %convert_element_type3A = arith.extui %eq3A_28 : i1 to i32
      %cond3A = arith.constant 0 : i32
      %cond3A_29 = arith.cmpi ne, %convert_element_type3A, %cond3A : i32
      scf.if %cond3A_29 {
        %add3A_64 = arith.addi %select_n3A, %while3A_25 : i32
        %multiple_of3A = tpu.assume_multiple %add3A_64, 8 : i32
        "tpu.region"() ({
          %run_scoped3A = tpu.sem_alloc : memref<!tpu.dma_semaphore, #tpu.memory_space<semaphore_mem>>
          %dma_start3A_65 = arith.constant 0 : i32
          %dma_start3A_66 = tpu.memref_slice %arg3[%multiple_of3A, %dma_start3A_65] : memref<2560x128xi32, #tpu.memory_space<hbm>> -> memref<40x128xi32, #tpu.memory_space<hbm>>
          %dma_start3A_67 = arith.constant 0 : i32
          %dma_start3A_68 = tpu.memref_slice %arg3[%multiple_of3A, %dma_start3A_67] : memref<2560x128xi32, #tpu.memory_space<hbm>> -> memref<40x128xi32, #tpu.memory_space<hbm>>
          tpu.enqueue_dma source(%dma_start3A_68 : memref<40x128xi32, #tpu.memory_space<hbm>>) target(%arg8 : memref<40x128xi32, #tpu.memory_space<vmem>>) target_semaphore(%run_scoped3A : memref<!tpu.dma_semaphore, #tpu.memory_space<semaphore_mem>>)
          %dma_wait3A_69 = arith.constant 0 : i32
          %dma_wait3A_70 = tpu.memref_slice %arg3[%multiple_of3A, %dma_wait3A_69] : memref<2560x128xi32, #tpu.memory_space<hbm>> -> memref<40x128xi32, #tpu.memory_space<hbm>>
          %dma_wait3A_71 = arith.constant 0 : i32
          %dma_wait3A_72 = tpu.memref_slice %arg3[%multiple_of3A, %dma_wait3A_71] : memref<2560x128xi32, #tpu.memory_space<hbm>> -> memref<40x128xi32, #tpu.memory_space<hbm>>
          tpu.wait_dma2 semaphore(%run_scoped3A : memref<!tpu.dma_semaphore, #tpu.memory_space<semaphore_mem>>) src(%dma_wait3A_72 : memref<40x128xi32, #tpu.memory_space<hbm>>) dst(%arg8 : memref<40x128xi32, #tpu.memory_space<vmem>>)
          tpu.yield
        }) : () -> ()
        "tpu.region"() ({
          %run_scoped3A = tpu.sem_alloc : memref<!tpu.dma_semaphore, #tpu.memory_space<semaphore_mem>>
          %dma_start3A_65 = arith.constant 0 : i32
          %dma_start3A_66 = tpu.memref_slice %arg4[%multiple_of3A, %dma_start3A_65] : memref<2560x128xi32, #tpu.memory_space<hbm>> -> memref<40x128xi32, #tpu.memory_space<hbm>>
          %dma_start3A_67 = arith.constant 0 : i32
          %dma_start3A_68 = tpu.memref_slice %arg4[%multiple_of3A, %dma_start3A_67] : memref<2560x128xi32, #tpu.memory_space<hbm>> -> memref<40x128xi32, #tpu.memory_space<hbm>>
          tpu.enqueue_dma source(%dma_start3A_68 : memref<40x128xi32, #tpu.memory_space<hbm>>) target(%arg9 : memref<40x128xi32, #tpu.memory_space<vmem>>) target_semaphore(%run_scoped3A : memref<!tpu.dma_semaphore, #tpu.memory_space<semaphore_mem>>)
          %dma_wait3A_69 = arith.constant 0 : i32
          %dma_wait3A_70 = tpu.memref_slice %arg4[%multiple_of3A, %dma_wait3A_69] : memref<2560x128xi32, #tpu.memory_space<hbm>> -> memref<40x128xi32, #tpu.memory_space<hbm>>
          %dma_wait3A_71 = arith.constant 0 : i32
          %dma_wait3A_72 = tpu.memref_slice %arg4[%multiple_of3A, %dma_wait3A_71] : memref<2560x128xi32, #tpu.memory_space<hbm>> -> memref<40x128xi32, #tpu.memory_space<hbm>>
          tpu.wait_dma2 semaphore(%run_scoped3A : memref<!tpu.dma_semaphore, #tpu.memory_space<semaphore_mem>>) src(%dma_wait3A_72 : memref<40x128xi32, #tpu.memory_space<hbm>>) dst(%arg9 : memref<40x128xi32, #tpu.memory_space<vmem>>)
          tpu.yield
        }) : () -> ()
      } else {
      }
      %dma_start3A = arith.constant 0 : i32
      %dma_start3A_30 = arith.constant 0 : i32
      %dma_start3A_31 = tpu.memref_slice %arg10[%dma_start3A, %dma_start3A_30] : memref<128x128xf32, #tpu.memory_space<vmem>> -> memref<64x128xf32, #tpu.memory_space<vmem>>
      %dma_start3A_32 = arith.constant 0 : i32
      %dma_start3A_33 = tpu.memref_slice %arg8[%rem3A_26, %dma_start3A_32] : memref<40x128xi32, #tpu.memory_space<vmem>> -> memref<1x64xi32, #tpu.memory_space<vmem>>
      %dma_start3A_34 = tpu.memref_squeeze %dma_start3A_33 : memref<1x64xi32, #tpu.memory_space<vmem>> -> memref<64xi32, #tpu.memory_space<vmem>>
      %dma_start3A_35 = arith.constant 0 : i32
      %dma_start3A_36 = arith.constant 0 : i32
      %dma_start3A_37 = tpu.memref_slice %arg2[%dma_start3A_35, %dma_start3A_36] : memref<10000x128xf32, #tpu.memory_space<hbm>> -> memref<10000x128xf32, #tpu.memory_space<hbm>>
      tpu.enqueue_indirect_dma source(%dma_start3A_37 : memref<10000x128xf32, #tpu.memory_space<hbm>>) target(%dma_start3A_31 : memref<64x128xf32, #tpu.memory_space<vmem>>) offsets(%dma_start3A_34 : memref<64xi32, #tpu.memory_space<vmem>>) semaphore(%arg11 : memref<!tpu.dma_semaphore, #tpu.memory_space<semaphore_mem>>)
      %dma_start3A_38 = arith.constant 64 : i32
      %dma_start3A_39 = arith.constant 0 : i32
      %dma_start3A_40 = tpu.memref_slice %arg10[%dma_start3A_38, %dma_start3A_39] : memref<128x128xf32, #tpu.memory_space<vmem>> -> memref<64x128xf32, #tpu.memory_space<vmem>>
      %dma_start3A_41 = arith.constant 64 : i32
      %dma_start3A_42 = tpu.memref_slice %arg8[%rem3A_26, %dma_start3A_41] : memref<40x128xi32, #tpu.memory_space<vmem>> -> memref<1x64xi32, #tpu.memory_space<vmem>>
      %dma_start3A_43 = tpu.memref_squeeze %dma_start3A_42 : memref<1x64xi32, #tpu.memory_space<vmem>> -> memref<64xi32, #tpu.memory_space<vmem>>
      %dma_start3A_44 = arith.constant 0 : i32
      %dma_start3A_45 = arith.constant 0 : i32
      %dma_start3A_46 = tpu.memref_slice %arg2[%dma_start3A_44, %dma_start3A_45] : memref<10000x128xf32, #tpu.memory_space<hbm>> -> memref<10000x128xf32, #tpu.memory_space<hbm>>
      tpu.enqueue_indirect_dma source(%dma_start3A_46 : memref<10000x128xf32, #tpu.memory_space<hbm>>) target(%dma_start3A_40 : memref<64x128xf32, #tpu.memory_space<vmem>>) offsets(%dma_start3A_43 : memref<64xi32, #tpu.memory_space<vmem>>) semaphore(%arg12 : memref<!tpu.dma_semaphore, #tpu.memory_space<semaphore_mem>>)
      %dma_wait3A = arith.constant 0 : i32
      %dma_wait3A_47 = arith.constant 0 : i32
      %dma_wait3A_48 = tpu.memref_slice %arg10[%dma_wait3A, %dma_wait3A_47] : memref<128x128xf32, #tpu.memory_space<vmem>> -> memref<64x128xf32, #tpu.memory_space<vmem>>
      %dma_wait3A_49 = arith.constant 0 : i32
      %dma_wait3A_50 = tpu.memref_slice %arg8[%rem3A_26, %dma_wait3A_49] : memref<40x128xi32, #tpu.memory_space<vmem>> -> memref<1x64xi32, #tpu.memory_space<vmem>>
      %dma_wait3A_51 = tpu.memref_squeeze %dma_wait3A_50 : memref<1x64xi32, #tpu.memory_space<vmem>> -> memref<64xi32, #tpu.memory_space<vmem>>
      %dma_wait3A_52 = arith.constant 0 : i32
      %dma_wait3A_53 = arith.constant 0 : i32
      %dma_wait3A_54 = tpu.memref_slice %arg2[%dma_wait3A_52, %dma_wait3A_53] : memref<10000x128xf32, #tpu.memory_space<hbm>> -> memref<10000x128xf32, #tpu.memory_space<hbm>>
      tpu.wait_indirect_dma semaphore(%arg11 : memref<!tpu.dma_semaphore, #tpu.memory_space<semaphore_mem>>) src(%dma_wait3A_54 : memref<10000x128xf32, #tpu.memory_space<hbm>>) dst(%dma_wait3A_48 : memref<64x128xf32, #tpu.memory_space<vmem>>)
      %dma_wait3A_55 = arith.constant 64 : i32
      %dma_wait3A_56 = arith.constant 0 : i32
      %dma_wait3A_57 = tpu.memref_slice %arg10[%dma_wait3A_55, %dma_wait3A_56] : memref<128x128xf32, #tpu.memory_space<vmem>> -> memref<64x128xf32, #tpu.memory_space<vmem>>
      %dma_wait3A_58 = arith.constant 64 : i32
      %dma_wait3A_59 = tpu.memref_slice %arg8[%rem3A_26, %dma_wait3A_58] : memref<40x128xi32, #tpu.memory_space<vmem>> -> memref<1x64xi32, #tpu.memory_space<vmem>>
      %dma_wait3A_60 = tpu.memref_squeeze %dma_wait3A_59 : memref<1x64xi32, #tpu.memory_space<vmem>> -> memref<64xi32, #tpu.memory_space<vmem>>
      %dma_wait3A_61 = arith.constant 0 : i32
      %dma_wait3A_62 = arith.constant 0 : i32
      %dma_wait3A_63 = tpu.memref_slice %arg2[%dma_wait3A_61, %dma_wait3A_62] : memref<10000x128xf32, #tpu.memory_space<hbm>> -> memref<10000x128xf32, #tpu.memory_space<hbm>>
      tpu.wait_indirect_dma semaphore(%arg12 : memref<!tpu.dma_semaphore, #tpu.memory_space<semaphore_mem>>) src(%dma_wait3A_63 : memref<10000x128xf32, #tpu.memory_space<hbm>>) dst(%dma_wait3A_57 : memref<64x128xf32, #tpu.memory_space<vmem>>)
      "tpu.region"() ({
        %run_scoped3A = tpu.sem_alloc : memref<!tpu.dma_semaphore, #tpu.memory_space<semaphore_mem>>
        %dma_start3A_64 = arith.constant 0 : i32
        %dma_start3A_65 = tpu.memref_slice %arg9[%rem3A_26, %dma_start3A_64] : memref<40x128xi32, #tpu.memory_space<vmem>> -> memref<1x128xi32, #tpu.memory_space<vmem>>
        %dma_start3A_66 = tpu.memref_squeeze %dma_start3A_65 : memref<1x128xi32, #tpu.memory_space<vmem>> -> memref<128xi32, #tpu.memory_space<vmem>>
        %dma_start3A_67 = arith.constant 0 : i32
        %dma_start3A_68 = arith.constant 0 : i32
        %dma_start3A_69 = tpu.memref_slice %arg7[%dma_start3A_67, %dma_start3A_68] : memref<10112x128xf32, #tpu.memory_space<vmem_shared>> -> memref<10112x128xf32, #tpu.memory_space<vmem_shared>>
        tpu.enqueue_indirect_dma source(%arg10 : memref<128x128xf32, #tpu.memory_space<vmem>>) target(%dma_start3A_69 : memref<10112x128xf32, #tpu.memory_space<vmem_shared>>) offsets(%dma_start3A_66 : memref<128xi32, #tpu.memory_space<vmem>>) semaphore(%run_scoped3A : memref<!tpu.dma_semaphore, #tpu.memory_space<semaphore_mem>>) {add = true}
        %dma_wait3A_70 = arith.constant 0 : i32
        %dma_wait3A_71 = tpu.memref_slice %arg9[%rem3A_26, %dma_wait3A_70] : memref<40x128xi32, #tpu.memory_space<vmem>> -> memref<1x128xi32, #tpu.memory_space<vmem>>
        %dma_wait3A_72 = tpu.memref_squeeze %dma_wait3A_71 : memref<1x128xi32, #tpu.memory_space<vmem>> -> memref<128xi32, #tpu.memory_space<vmem>>
        %dma_wait3A_73 = arith.constant 0 : i32
        %dma_wait3A_74 = arith.constant 0 : i32
        %dma_wait3A_75 = tpu.memref_slice %arg7[%dma_wait3A_73, %dma_wait3A_74] : memref<10112x128xf32, #tpu.memory_space<vmem_shared>> -> memref<10112x128xf32, #tpu.memory_space<vmem_shared>>
        tpu.wait_indirect_dma semaphore(%run_scoped3A : memref<!tpu.dma_semaphore, #tpu.memory_space<semaphore_mem>>) src(%arg10 : memref<128x128xf32, #tpu.memory_space<vmem>>) dst(%dma_wait3A_75 : memref<10112x128xf32, #tpu.memory_space<vmem_shared>>)
        tpu.yield
      }) : () -> ()
    }
    %while3A_19 = arith.constant 1 : i32
    scf.for %while3A_25 = %while3A_17 to %while3A_13 step %while3A_19  : i32 {
      %rem3A = arith.constant 40 : i32
      %rem3A_26 = arith.remsi %while3A_25, %rem3A : i32
      %eq3A_27 = arith.constant 0 : i32
      %eq3A_28 = arith.cmpi eq, %rem3A_26, %eq3A_27 : i32
      %convert_element_type3A = arith.extui %eq3A_28 : i1 to i32
      %cond3A = arith.constant 0 : i32
      %cond3A_29 = arith.cmpi ne, %convert_element_type3A, %cond3A : i32
      scf.if %cond3A_29 {
        %add3A_64 = arith.addi %select_n3A, %while3A_25 : i32
        %multiple_of3A = tpu.assume_multiple %add3A_64, 8 : i32
        "tpu.region"() ({
          %run_scoped3A = tpu.sem_alloc : memref<!tpu.dma_semaphore, #tpu.memory_space<semaphore_mem>>
          %dma_start3A_65 = arith.constant 0 : i32
          %dma_start3A_66 = tpu.memref_slice %arg3[%multiple_of3A, %dma_start3A_65] : memref<2560x128xi32, #tpu.memory_space<hbm>> -> memref<40x128xi32, #tpu.memory_space<hbm>>
          %dma_start3A_67 = arith.constant 0 : i32
          %dma_start3A_68 = tpu.memref_slice %arg3[%multiple_of3A, %dma_start3A_67] : memref<2560x128xi32, #tpu.memory_space<hbm>> -> memref<40x128xi32, #tpu.memory_space<hbm>>
          tpu.enqueue_dma source(%dma_start3A_68 : memref<40x128xi32, #tpu.memory_space<hbm>>) target(%arg8 : memref<40x128xi32, #tpu.memory_space<vmem>>) target_semaphore(%run_scoped3A : memref<!tpu.dma_semaphore, #tpu.memory_space<semaphore_mem>>)
          %dma_wait3A_69 = arith.constant 0 : i32
          %dma_wait3A_70 = tpu.memref_slice %arg3[%multiple_of3A, %dma_wait3A_69] : memref<2560x128xi32, #tpu.memory_space<hbm>> -> memref<40x128xi32, #tpu.memory_space<hbm>>
          %dma_wait3A_71 = arith.constant 0 : i32
          %dma_wait3A_72 = tpu.memref_slice %arg3[%multiple_of3A, %dma_wait3A_71] : memref<2560x128xi32, #tpu.memory_space<hbm>> -> memref<40x128xi32, #tpu.memory_space<hbm>>
          tpu.wait_dma2 semaphore(%run_scoped3A : memref<!tpu.dma_semaphore, #tpu.memory_space<semaphore_mem>>) src(%dma_wait3A_72 : memref<40x128xi32, #tpu.memory_space<hbm>>) dst(%arg8 : memref<40x128xi32, #tpu.memory_space<vmem>>)
          tpu.yield
        }) : () -> ()
        "tpu.region"() ({
          %run_scoped3A = tpu.sem_alloc : memref<!tpu.dma_semaphore, #tpu.memory_space<semaphore_mem>>
          %dma_start3A_65 = arith.constant 0 : i32
          %dma_start3A_66 = tpu.memref_slice %arg4[%multiple_of3A, %dma_start3A_65] : memref<2560x128xi32, #tpu.memory_space<hbm>> -> memref<40x128xi32, #tpu.memory_space<hbm>>
          %dma_start3A_67 = arith.constant 0 : i32
          %dma_start3A_68 = tpu.memref_slice %arg4[%multiple_of3A, %dma_start3A_67] : memref<2560x128xi32, #tpu.memory_space<hbm>> -> memref<40x128xi32, #tpu.memory_space<hbm>>
          tpu.enqueue_dma source(%dma_start3A_68 : memref<40x128xi32, #tpu.memory_space<hbm>>) target(%arg9 : memref<40x128xi32, #tpu.memory_space<vmem>>) target_semaphore(%run_scoped3A : memref<!tpu.dma_semaphore, #tpu.memory_space<semaphore_mem>>)
          %dma_wait3A_69 = arith.constant 0 : i32
          %dma_wait3A_70 = tpu.memref_slice %arg4[%multiple_of3A, %dma_wait3A_69] : memref<2560x128xi32, #tpu.memory_space<hbm>> -> memref<40x128xi32, #tpu.memory_space<hbm>>
          %dma_wait3A_71 = arith.constant 0 : i32
          %dma_wait3A_72 = tpu.memref_slice %arg4[%multiple_of3A, %dma_wait3A_71] : memref<2560x128xi32, #tpu.memory_space<hbm>> -> memref<40x128xi32, #tpu.memory_space<hbm>>
          tpu.wait_dma2 semaphore(%run_scoped3A : memref<!tpu.dma_semaphore, #tpu.memory_space<semaphore_mem>>) src(%dma_wait3A_72 : memref<40x128xi32, #tpu.memory_space<hbm>>) dst(%arg9 : memref<40x128xi32, #tpu.memory_space<vmem>>)
          tpu.yield
        }) : () -> ()
      } else {
      }
      %dma_start3A = arith.constant 0 : i32
      %dma_start3A_30 = arith.constant 0 : i32
      %dma_start3A_31 = tpu.memref_slice %arg10[%dma_start3A, %dma_start3A_30] : memref<128x128xf32, #tpu.memory_space<vmem>> -> memref<64x128xf32, #tpu.memory_space<vmem>>
      %dma_start3A_32 = arith.constant 0 : i32
      %dma_start3A_33 = tpu.memref_slice %arg8[%rem3A_26, %dma_start3A_32] : memref<40x128xi32, #tpu.memory_space<vmem>> -> memref<1x64xi32, #tpu.memory_space<vmem>>
      %dma_start3A_34 = tpu.memref_squeeze %dma_start3A_33 : memref<1x64xi32, #tpu.memory_space<vmem>> -> memref<64xi32, #tpu.memory_space<vmem>>
      %dma_start3A_35 = arith.constant 0 : i32
      %dma_start3A_36 = arith.constant 0 : i32
      %dma_start3A_37 = tpu.memref_slice %arg2[%dma_start3A_35, %dma_start3A_36] : memref<10000x128xf32, #tpu.memory_space<hbm>> -> memref<10000x128xf32, #tpu.memory_space<hbm>>
      tpu.enqueue_indirect_dma source(%dma_start3A_37 : memref<10000x128xf32, #tpu.memory_space<hbm>>) target(%dma_start3A_31 : memref<64x128xf32, #tpu.memory_space<vmem>>) offsets(%dma_start3A_34 : memref<64xi32, #tpu.memory_space<vmem>>) semaphore(%arg11 : memref<!tpu.dma_semaphore, #tpu.memory_space<semaphore_mem>>)
      %dma_start3A_38 = arith.constant 64 : i32
      %dma_start3A_39 = arith.constant 0 : i32
      %dma_start3A_40 = tpu.memref_slice %arg10[%dma_start3A_38, %dma_start3A_39] : memref<128x128xf32, #tpu.memory_space<vmem>> -> memref<64x128xf32, #tpu.memory_space<vmem>>
      %dma_start3A_41 = arith.constant 64 : i32
      %dma_start3A_42 = tpu.memref_slice %arg8[%rem3A_26, %dma_start3A_41] : memref<40x128xi32, #tpu.memory_space<vmem>> -> memref<1x64xi32, #tpu.memory_space<vmem>>
      %dma_start3A_43 = tpu.memref_squeeze %dma_start3A_42 : memref<1x64xi32, #tpu.memory_space<vmem>> -> memref<64xi32, #tpu.memory_space<vmem>>
      %dma_start3A_44 = arith.constant 0 : i32
      %dma_start3A_45 = arith.constant 0 : i32
      %dma_start3A_46 = tpu.memref_slice %arg2[%dma_start3A_44, %dma_start3A_45] : memref<10000x128xf32, #tpu.memory_space<hbm>> -> memref<10000x128xf32, #tpu.memory_space<hbm>>
      tpu.enqueue_indirect_dma source(%dma_start3A_46 : memref<10000x128xf32, #tpu.memory_space<hbm>>) target(%dma_start3A_40 : memref<64x128xf32, #tpu.memory_space<vmem>>) offsets(%dma_start3A_43 : memref<64xi32, #tpu.memory_space<vmem>>) semaphore(%arg12 : memref<!tpu.dma_semaphore, #tpu.memory_space<semaphore_mem>>)
      %dma_wait3A = arith.constant 0 : i32
      %dma_wait3A_47 = arith.constant 0 : i32
      %dma_wait3A_48 = tpu.memref_slice %arg10[%dma_wait3A, %dma_wait3A_47] : memref<128x128xf32, #tpu.memory_space<vmem>> -> memref<64x128xf32, #tpu.memory_space<vmem>>
      %dma_wait3A_49 = arith.constant 0 : i32
      %dma_wait3A_50 = tpu.memref_slice %arg8[%rem3A_26, %dma_wait3A_49] : memref<40x128xi32, #tpu.memory_space<vmem>> -> memref<1x64xi32, #tpu.memory_space<vmem>>
      %dma_wait3A_51 = tpu.memref_squeeze %dma_wait3A_50 : memref<1x64xi32, #tpu.memory_space<vmem>> -> memref<64xi32, #tpu.memory_space<vmem>>
      %dma_wait3A_52 = arith.constant 0 : i32
      %dma_wait3A_53 = arith.constant 0 : i32
      %dma_wait3A_54 = tpu.memref_slice %arg2[%dma_wait3A_52, %dma_wait3A_53] : memref<10000x128xf32, #tpu.memory_space<hbm>> -> memref<10000x128xf32, #tpu.memory_space<hbm>>
      tpu.wait_indirect_dma semaphore(%arg11 : memref<!tpu.dma_semaphore, #tpu.memory_space<semaphore_mem>>) src(%dma_wait3A_54 : memref<10000x128xf32, #tpu.memory_space<hbm>>) dst(%dma_wait3A_48 : memref<64x128xf32, #tpu.memory_space<vmem>>)
      %dma_wait3A_55 = arith.constant 64 : i32
      %dma_wait3A_56 = arith.constant 0 : i32
      %dma_wait3A_57 = tpu.memref_slice %arg10[%dma_wait3A_55, %dma_wait3A_56] : memref<128x128xf32, #tpu.memory_space<vmem>> -> memref<64x128xf32, #tpu.memory_space<vmem>>
      %dma_wait3A_58 = arith.constant 64 : i32
      %dma_wait3A_59 = tpu.memref_slice %arg8[%rem3A_26, %dma_wait3A_58] : memref<40x128xi32, #tpu.memory_space<vmem>> -> memref<1x64xi32, #tpu.memory_space<vmem>>
      %dma_wait3A_60 = tpu.memref_squeeze %dma_wait3A_59 : memref<1x64xi32, #tpu.memory_space<vmem>> -> memref<64xi32, #tpu.memory_space<vmem>>
      %dma_wait3A_61 = arith.constant 0 : i32
      %dma_wait3A_62 = arith.constant 0 : i32
      %dma_wait3A_63 = tpu.memref_slice %arg2[%dma_wait3A_61, %dma_wait3A_62] : memref<10000x128xf32, #tpu.memory_space<hbm>> -> memref<10000x128xf32, #tpu.memory_space<hbm>>
      tpu.wait_indirect_dma semaphore(%arg12 : memref<!tpu.dma_semaphore, #tpu.memory_space<semaphore_mem>>) src(%dma_wait3A_63 : memref<10000x128xf32, #tpu.memory_space<hbm>>) dst(%dma_wait3A_57 : memref<64x128xf32, #tpu.memory_space<vmem>>)
      "tpu.region"() ({
        %run_scoped3A = tpu.sem_alloc : memref<!tpu.dma_semaphore, #tpu.memory_space<semaphore_mem>>
        %dma_start3A_64 = arith.constant 0 : i32
        %dma_start3A_65 = tpu.memref_slice %arg9[%rem3A_26, %dma_start3A_64] : memref<40x128xi32, #tpu.memory_space<vmem>> -> memref<1x128xi32, #tpu.memory_space<vmem>>
        %dma_start3A_66 = tpu.memref_squeeze %dma_start3A_65 : memref<1x128xi32, #tpu.memory_space<vmem>> -> memref<128xi32, #tpu.memory_space<vmem>>
        %dma_start3A_67 = arith.constant 0 : i32
        %dma_start3A_68 = arith.constant 0 : i32
        %dma_start3A_69 = tpu.memref_slice %arg7[%dma_start3A_67, %dma_start3A_68] : memref<10112x128xf32, #tpu.memory_space<vmem_shared>> -> memref<10112x128xf32, #tpu.memory_space<vmem_shared>>
        tpu.enqueue_indirect_dma source(%arg10 : memref<128x128xf32, #tpu.memory_space<vmem>>) target(%dma_start3A_69 : memref<10112x128xf32, #tpu.memory_space<vmem_shared>>) offsets(%dma_start3A_66 : memref<128xi32, #tpu.memory_space<vmem>>) semaphore(%run_scoped3A : memref<!tpu.dma_semaphore, #tpu.memory_space<semaphore_mem>>) {add = true}
        %dma_wait3A_70 = arith.constant 0 : i32
        %dma_wait3A_71 = tpu.memref_slice %arg9[%rem3A_26, %dma_wait3A_70] : memref<40x128xi32, #tpu.memory_space<vmem>> -> memref<1x128xi32, #tpu.memory_space<vmem>>
        %dma_wait3A_72 = tpu.memref_squeeze %dma_wait3A_71 : memref<1x128xi32, #tpu.memory_space<vmem>> -> memref<128xi32, #tpu.memory_space<vmem>>
        %dma_wait3A_73 = arith.constant 0 : i32
        %dma_wait3A_74 = arith.constant 0 : i32
        %dma_wait3A_75 = tpu.memref_slice %arg7[%dma_wait3A_73, %dma_wait3A_74] : memref<10112x128xf32, #tpu.memory_space<vmem_shared>> -> memref<10112x128xf32, #tpu.memory_space<vmem_shared>>
        tpu.wait_indirect_dma semaphore(%run_scoped3A : memref<!tpu.dma_semaphore, #tpu.memory_space<semaphore_mem>>) src(%arg10 : memref<128x128xf32, #tpu.memory_space<vmem>>) dst(%dma_wait3A_75 : memref<10112x128xf32, #tpu.memory_space<vmem_shared>>)
        tpu.yield
      }) : () -> ()
    }
    %barrier3A_20 = arith.constant 0 : index
    tpu.barrier barrier_id(%barrier3A_20)
    %mul3A_21 = arith.constant 632 : i32
    %mul3A_22 = arith.muli %arg1, %mul3A_21 : i32
    %mul3A_23 = arith.constant 632 : i32
    %mul3A_24 = arith.muli %arg1, %mul3A_23 : i32
    "tpu.region"() ({
      %run_scoped3A = tpu.sem_alloc : memref<!tpu.dma_semaphore, #tpu.memory_space<semaphore_mem>>
      %dma_start3A = arith.constant 0 : i32
      %dma_start3A_25 = tpu.memref_slice %arg6[%arg0, %mul3A_24, %dma_start3A] : memref<2x10112x128xf32, #tpu.memory_space<hbm>> -> memref<1x632x128xf32, #tpu.memory_space<hbm>>
      %dma_start3A_26 = tpu.memref_squeeze %dma_start3A_25 : memref<1x632x128xf32, #tpu.memory_space<hbm>> -> memref<632x128xf32, #tpu.memory_space<hbm>>
      %dma_start3A_27 = arith.constant 0 : i32
      %dma_start3A_28 = tpu.memref_slice %arg7[%mul3A_22, %dma_start3A_27] : memref<10112x128xf32, #tpu.memory_space<vmem_shared>> -> memref<632x128xf32, #tpu.memory_space<vmem_shared>>
      tpu.enqueue_dma source(%dma_start3A_28 : memref<632x128xf32, #tpu.memory_space<vmem_shared>>) target(%dma_start3A_26 : memref<632x128xf32, #tpu.memory_space<hbm>>) target_semaphore(%run_scoped3A : memref<!tpu.dma_semaphore, #tpu.memory_space<semaphore_mem>>)
      %dma_wait3A = arith.constant 0 : i32
      %dma_wait3A_29 = tpu.memref_slice %arg6[%arg0, %mul3A_24, %dma_wait3A] : memref<2x10112x128xf32, #tpu.memory_space<hbm>> -> memref<1x632x128xf32, #tpu.memory_space<hbm>>
      %dma_wait3A_30 = tpu.memref_squeeze %dma_wait3A_29 : memref<1x632x128xf32, #tpu.memory_space<hbm>> -> memref<632x128xf32, #tpu.memory_space<hbm>>
      %dma_wait3A_31 = arith.constant 0 : i32
      %dma_wait3A_32 = tpu.memref_slice %arg7[%mul3A_22, %dma_wait3A_31] : memref<10112x128xf32, #tpu.memory_space<vmem_shared>> -> memref<632x128xf32, #tpu.memory_space<vmem_shared>>
      tpu.wait_dma2 semaphore(%run_scoped3A : memref<!tpu.dma_semaphore, #tpu.memory_space<semaphore_mem>>) src(%dma_wait3A_32 : memref<632x128xf32, #tpu.memory_space<vmem_shared>>) dst(%dma_wait3A_30 : memref<632x128xf32, #tpu.memory_space<hbm>>)
      tpu.yield
    }) : () -> ()
    return
  }
}

#map = affine_map<(d0, d1) -> (0, 0)>
#map1 = affine_map<(d0, d1) -> (0, 0, 0)>
module attributes {stable_mosaic.version = 14 : i64} {
  func.func @k(%arg0: i32, %arg1: i32, %arg2: memref<10000x128xf32, #tpu.memory_space<hbm>>, %arg3: memref<2560x128xi32, #tpu.memory_space<hbm>>, %arg4: memref<2560x128xi32, #tpu.memory_space<hbm>>, %arg5: memref<632x128xf32, #tpu.memory_space<hbm>>, %arg6: memref<2x10112x128xf32, #tpu.memory_space<hbm>>, %arg7: memref<10112x128xf32, #tpu.memory_space<vmem_shared>>, %arg8: memref<40x128xi32, #tpu.memory_space<vmem>>, %arg9: memref<40x128xi32, #tpu.memory_space<vmem>>, %arg10: memref<128x128xf32, #tpu.memory_space<vmem>>, %arg11: memref<!tpu.dma_semaphore, #tpu.memory_space<semaphore_mem>>, %arg12: memref<!tpu.dma_semaphore, #tpu.memory_space<semaphore_mem>>) attributes {dimension_semantics = [#tpu.dimension_semantics<core_parallel>, #tpu.dimension_semantics<subcore_parallel>], iteration_bounds = array<i64: 2, 16>, scalar_prefetch = 0 : i64, scratch_operands = 6 : i64, tpu.core_type = #tpu.core_type<sc_vector_subcore>, window_params = [{transform_indices = #map}, {transform_indices = #map}, {transform_indices = #map}, {transform_indices = #map}, {transform_indices = #map1}]} {
    %mul3A = arith.constant 632 : i32
    %mul3A_0 = arith.muli %arg1, %mul3A : i32
    "tpu.region"() ({
      %run_scoped3A = tpu.sem_alloc : memref<!tpu.dma_semaphore, #tpu.memory_space<semaphore_mem>>
      %dma_start3A = arith.constant 0 : i32
      %dma_start3A_25 = tpu.memref_slice %arg7[%mul3A_0, %dma_start3A] : memref<10112x128xf32, #tpu.memory_space<vmem_shared>> -> memref<632x128xf32, #tpu.memory_space<vmem_shared>>
      tpu.enqueue_dma source(%arg5 : memref<632x128xf32, #tpu.memory_space<hbm>>) target(%dma_start3A_25 : memref<632x128xf32, #tpu.memory_space<vmem_shared>>) target_semaphore(%run_scoped3A : memref<!tpu.dma_semaphore, #tpu.memory_space<semaphore_mem>>)
      %dma_wait3A = arith.constant 0 : i32
      %dma_wait3A_26 = tpu.memref_slice %arg7[%mul3A_0, %dma_wait3A] : memref<10112x128xf32, #tpu.memory_space<vmem_shared>> -> memref<632x128xf32, #tpu.memory_space<vmem_shared>>
      tpu.wait_dma2 semaphore(%run_scoped3A : memref<!tpu.dma_semaphore, #tpu.memory_space<semaphore_mem>>) src(%arg5 : memref<632x128xf32, #tpu.memory_space<hbm>>) dst(%dma_wait3A_26 : memref<632x128xf32, #tpu.memory_space<vmem_shared>>)
      tpu.yield
    }) : () -> ()
    %eq3A = arith.constant 0 : i32
    %eq3A_1 = arith.cmpi eq, %arg0, %eq3A : i32
    %mul3A_2 = arith.constant 120 : i32
    %mul3A_3 = arith.muli %arg1, %mul3A_2 : i32
    %mul3A_4 = arith.constant 40 : i32
    %mul3A_5 = arith.muli %arg1, %mul3A_4 : i32
    %add3A = arith.constant 1920 : i32
    %add3A_6 = arith.addi %add3A, %mul3A_5 : i32
    %select_n3A = arith.select %eq3A_1, %mul3A_3, %add3A_6 : i32
    %barrier3A = arith.constant 0 : index
    tpu.barrier barrier_id(%barrier3A)
    %eq3A_7 = arith.constant 0 : i32
    %eq3A_8 = arith.cmpi eq, %arg0, %eq3A_7 : i32
    %jit3A = arith.constant 120 : i32
    %jit3A_9 = arith.constant 40 : i32
    %select_n3A_10 = arith.select %eq3A_8, %jit3A, %jit3A_9 : i32
    %while3A = arith.constant 0 : i32
    %while3A_11 = arith.constant 0 : i32
    %while3A_12 = arith.subi %select_n3A_10, %while3A_11 : i32
    %while3A_13 = arith.addi %while3A_11, %while3A_12 : i32
    %while3A_14 = arith.constant 1 : i32
    %while3A_15 = arith.divsi %while3A_12, %while3A_14 : i32
    %while3A_16 = arith.muli %while3A_15, %while3A_14 : i32
    %while3A_17 = arith.addi %while3A_11, %while3A_16 : i32
    %while3A_18 = arith.constant 1 : i32
    scf.for %while3A_25 = %while3A_11 to %while3A_17 step %while3A_18  : i32 {
      %rem3A = arith.constant 40 : i32
      %rem3A_26 = arith.remsi %while3A_25, %rem3A : i32
      %eq3A_27 = arith.constant 0 : i32
      %eq3A_28 = arith.cmpi eq, %rem3A_26, %eq3A_27 : i32
      %convert_element_type3A = arith.extui %eq3A_28 : i1 to i32
      %cond3A = arith.constant 0 : i32
      %cond3A_29 = arith.cmpi ne, %convert_element_type3A, %cond3A : i32
      scf.if %cond3A_29 {
        %add3A_64 = arith.addi %select_n3A, %while3A_25 : i32
        %multiple_of3A = tpu.assume_multiple %add3A_64, 8 : i32
        "tpu.region"() ({
          %run_scoped3A = tpu.sem_alloc : memref<!tpu.dma_semaphore, #tpu.memory_space<semaphore_mem>>
          %dma_start3A_65 = arith.constant 0 : i32
          %dma_start3A_66 = tpu.memref_slice %arg3[%multiple_of3A, %dma_start3A_65] : memref<2560x128xi32, #tpu.memory_space<hbm>> -> memref<40x128xi32, #tpu.memory_space<hbm>>
          %dma_start3A_67 = arith.constant 0 : i32
          %dma_start3A_68 = tpu.memref_slice %arg3[%multiple_of3A, %dma_start3A_67] : memref<2560x128xi32, #tpu.memory_space<hbm>> -> memref<40x128xi32, #tpu.memory_space<hbm>>
          tpu.enqueue_dma source(%dma_start3A_68 : memref<40x128xi32, #tpu.memory_space<hbm>>) target(%arg8 : memref<40x128xi32, #tpu.memory_space<vmem>>) target_semaphore(%run_scoped3A : memref<!tpu.dma_semaphore, #tpu.memory_space<semaphore_mem>>)
          %dma_wait3A_69 = arith.constant 0 : i32
          %dma_wait3A_70 = tpu.memref_slice %arg3[%multiple_of3A, %dma_wait3A_69] : memref<2560x128xi32, #tpu.memory_space<hbm>> -> memref<40x128xi32, #tpu.memory_space<hbm>>
          %dma_wait3A_71 = arith.constant 0 : i32
          %dma_wait3A_72 = tpu.memref_slice %arg3[%multiple_of3A, %dma_wait3A_71] : memref<2560x128xi32, #tpu.memory_space<hbm>> -> memref<40x128xi32, #tpu.memory_space<hbm>>
          tpu.wait_dma2 semaphore(%run_scoped3A : memref<!tpu.dma_semaphore, #tpu.memory_space<semaphore_mem>>) src(%dma_wait3A_72 : memref<40x128xi32, #tpu.memory_space<hbm>>) dst(%arg8 : memref<40x128xi32, #tpu.memory_space<vmem>>)
          tpu.yield
        }) : () -> ()
        "tpu.region"() ({
          %run_scoped3A = tpu.sem_alloc : memref<!tpu.dma_semaphore, #tpu.memory_space<semaphore_mem>>
          %dma_start3A_65 = arith.constant 0 : i32
          %dma_start3A_66 = tpu.memref_slice %arg4[%multiple_of3A, %dma_start3A_65] : memref<2560x128xi32, #tpu.memory_space<hbm>> -> memref<40x128xi32, #tpu.memory_space<hbm>>
          %dma_start3A_67 = arith.constant 0 : i32
          %dma_start3A_68 = tpu.memref_slice %arg4[%multiple_of3A, %dma_start3A_67] : memref<2560x128xi32, #tpu.memory_space<hbm>> -> memref<40x128xi32, #tpu.memory_space<hbm>>
          tpu.enqueue_dma source(%dma_start3A_68 : memref<40x128xi32, #tpu.memory_space<hbm>>) target(%arg9 : memref<40x128xi32, #tpu.memory_space<vmem>>) target_semaphore(%run_scoped3A : memref<!tpu.dma_semaphore, #tpu.memory_space<semaphore_mem>>)
          %dma_wait3A_69 = arith.constant 0 : i32
          %dma_wait3A_70 = tpu.memref_slice %arg4[%multiple_of3A, %dma_wait3A_69] : memref<2560x128xi32, #tpu.memory_space<hbm>> -> memref<40x128xi32, #tpu.memory_space<hbm>>
          %dma_wait3A_71 = arith.constant 0 : i32
          %dma_wait3A_72 = tpu.memref_slice %arg4[%multiple_of3A, %dma_wait3A_71] : memref<2560x128xi32, #tpu.memory_space<hbm>> -> memref<40x128xi32, #tpu.memory_space<hbm>>
          tpu.wait_dma2 semaphore(%run_scoped3A : memref<!tpu.dma_semaphore, #tpu.memory_space<semaphore_mem>>) src(%dma_wait3A_72 : memref<40x128xi32, #tpu.memory_space<hbm>>) dst(%arg9 : memref<40x128xi32, #tpu.memory_space<vmem>>)
          tpu.yield
        }) : () -> ()
      } else {
      }
      %dma_start3A = arith.constant 0 : i32
      %dma_start3A_30 = arith.constant 0 : i32
      %dma_start3A_31 = tpu.memref_slice %arg10[%dma_start3A, %dma_start3A_30] : memref<128x128xf32, #tpu.memory_space<vmem>> -> memref<64x128xf32, #tpu.memory_space<vmem>>
      %dma_start3A_32 = arith.constant 0 : i32
      %dma_start3A_33 = tpu.memref_slice %arg8[%rem3A_26, %dma_start3A_32] : memref<40x128xi32, #tpu.memory_space<vmem>> -> memref<1x64xi32, #tpu.memory_space<vmem>>
      %dma_start3A_34 = tpu.memref_squeeze %dma_start3A_33 : memref<1x64xi32, #tpu.memory_space<vmem>> -> memref<64xi32, #tpu.memory_space<vmem>>
      %dma_start3A_35 = arith.constant 0 : i32
      %dma_start3A_36 = arith.constant 0 : i32
      %dma_start3A_37 = tpu.memref_slice %arg2[%dma_start3A_35, %dma_start3A_36] : memref<10000x128xf32, #tpu.memory_space<hbm>> -> memref<10000x128xf32, #tpu.memory_space<hbm>>
      tpu.enqueue_indirect_dma source(%dma_start3A_37 : memref<10000x128xf32, #tpu.memory_space<hbm>>) target(%dma_start3A_31 : memref<64x128xf32, #tpu.memory_space<vmem>>) offsets(%dma_start3A_34 : memref<64xi32, #tpu.memory_space<vmem>>) semaphore(%arg11 : memref<!tpu.dma_semaphore, #tpu.memory_space<semaphore_mem>>)
      %dma_start3A_38 = arith.constant 64 : i32
      %dma_start3A_39 = arith.constant 0 : i32
      %dma_start3A_40 = tpu.memref_slice %arg10[%dma_start3A_38, %dma_start3A_39] : memref<128x128xf32, #tpu.memory_space<vmem>> -> memref<64x128xf32, #tpu.memory_space<vmem>>
      %dma_start3A_41 = arith.constant 64 : i32
      %dma_start3A_42 = tpu.memref_slice %arg8[%rem3A_26, %dma_start3A_41] : memref<40x128xi32, #tpu.memory_space<vmem>> -> memref<1x64xi32, #tpu.memory_space<vmem>>
      %dma_start3A_43 = tpu.memref_squeeze %dma_start3A_42 : memref<1x64xi32, #tpu.memory_space<vmem>> -> memref<64xi32, #tpu.memory_space<vmem>>
      %dma_start3A_44 = arith.constant 0 : i32
      %dma_start3A_45 = arith.constant 0 : i32
      %dma_start3A_46 = tpu.memref_slice %arg2[%dma_start3A_44, %dma_start3A_45] : memref<10000x128xf32, #tpu.memory_space<hbm>> -> memref<10000x128xf32, #tpu.memory_space<hbm>>
      tpu.enqueue_indirect_dma source(%dma_start3A_46 : memref<10000x128xf32, #tpu.memory_space<hbm>>) target(%dma_start3A_40 : memref<64x128xf32, #tpu.memory_space<vmem>>) offsets(%dma_start3A_43 : memref<64xi32, #tpu.memory_space<vmem>>) semaphore(%arg12 : memref<!tpu.dma_semaphore, #tpu.memory_space<semaphore_mem>>)
      %dma_wait3A = arith.constant 0 : i32
      %dma_wait3A_47 = arith.constant 0 : i32
      %dma_wait3A_48 = tpu.memref_slice %arg10[%dma_wait3A, %dma_wait3A_47] : memref<128x128xf32, #tpu.memory_space<vmem>> -> memref<64x128xf32, #tpu.memory_space<vmem>>
      %dma_wait3A_49 = arith.constant 0 : i32
      %dma_wait3A_50 = tpu.memref_slice %arg8[%rem3A_26, %dma_wait3A_49] : memref<40x128xi32, #tpu.memory_space<vmem>> -> memref<1x64xi32, #tpu.memory_space<vmem>>
      %dma_wait3A_51 = tpu.memref_squeeze %dma_wait3A_50 : memref<1x64xi32, #tpu.memory_space<vmem>> -> memref<64xi32, #tpu.memory_space<vmem>>
      %dma_wait3A_52 = arith.constant 0 : i32
      %dma_wait3A_53 = arith.constant 0 : i32
      %dma_wait3A_54 = tpu.memref_slice %arg2[%dma_wait3A_52, %dma_wait3A_53] : memref<10000x128xf32, #tpu.memory_space<hbm>> -> memref<10000x128xf32, #tpu.memory_space<hbm>>
      tpu.wait_indirect_dma semaphore(%arg11 : memref<!tpu.dma_semaphore, #tpu.memory_space<semaphore_mem>>) src(%dma_wait3A_54 : memref<10000x128xf32, #tpu.memory_space<hbm>>) dst(%dma_wait3A_48 : memref<64x128xf32, #tpu.memory_space<vmem>>)
      %dma_wait3A_55 = arith.constant 64 : i32
      %dma_wait3A_56 = arith.constant 0 : i32
      %dma_wait3A_57 = tpu.memref_slice %arg10[%dma_wait3A_55, %dma_wait3A_56] : memref<128x128xf32, #tpu.memory_space<vmem>> -> memref<64x128xf32, #tpu.memory_space<vmem>>
      %dma_wait3A_58 = arith.constant 64 : i32
      %dma_wait3A_59 = tpu.memref_slice %arg8[%rem3A_26, %dma_wait3A_58] : memref<40x128xi32, #tpu.memory_space<vmem>> -> memref<1x64xi32, #tpu.memory_space<vmem>>
      %dma_wait3A_60 = tpu.memref_squeeze %dma_wait3A_59 : memref<1x64xi32, #tpu.memory_space<vmem>> -> memref<64xi32, #tpu.memory_space<vmem>>
      %dma_wait3A_61 = arith.constant 0 : i32
      %dma_wait3A_62 = arith.constant 0 : i32
      %dma_wait3A_63 = tpu.memref_slice %arg2[%dma_wait3A_61, %dma_wait3A_62] : memref<10000x128xf32, #tpu.memory_space<hbm>> -> memref<10000x128xf32, #tpu.memory_space<hbm>>
      tpu.wait_indirect_dma semaphore(%arg12 : memref<!tpu.dma_semaphore, #tpu.memory_space<semaphore_mem>>) src(%dma_wait3A_63 : memref<10000x128xf32, #tpu.memory_space<hbm>>) dst(%dma_wait3A_57 : memref<64x128xf32, #tpu.memory_space<vmem>>)
      "tpu.region"() ({
        %run_scoped3A = tpu.sem_alloc : memref<!tpu.dma_semaphore, #tpu.memory_space<semaphore_mem>>
        %dma_start3A_64 = arith.constant 0 : i32
        %dma_start3A_65 = tpu.memref_slice %arg9[%rem3A_26, %dma_start3A_64] : memref<40x128xi32, #tpu.memory_space<vmem>> -> memref<1x128xi32, #tpu.memory_space<vmem>>
        %dma_start3A_66 = tpu.memref_squeeze %dma_start3A_65 : memref<1x128xi32, #tpu.memory_space<vmem>> -> memref<128xi32, #tpu.memory_space<vmem>>
        %dma_start3A_67 = arith.constant 0 : i32
        %dma_start3A_68 = arith.constant 0 : i32
        %dma_start3A_69 = tpu.memref_slice %arg7[%dma_start3A_67, %dma_start3A_68] : memref<10112x128xf32, #tpu.memory_space<vmem_shared>> -> memref<10112x128xf32, #tpu.memory_space<vmem_shared>>
        tpu.enqueue_indirect_dma source(%arg10 : memref<128x128xf32, #tpu.memory_space<vmem>>) target(%dma_start3A_69 : memref<10112x128xf32, #tpu.memory_space<vmem_shared>>) offsets(%dma_start3A_66 : memref<128xi32, #tpu.memory_space<vmem>>) semaphore(%run_scoped3A : memref<!tpu.dma_semaphore, #tpu.memory_space<semaphore_mem>>) {add = true}
        %dma_wait3A_70 = arith.constant 0 : i32
        %dma_wait3A_71 = tpu.memref_slice %arg9[%rem3A_26, %dma_wait3A_70] : memref<40x128xi32, #tpu.memory_space<vmem>> -> memref<1x128xi32, #tpu.memory_space<vmem>>
        %dma_wait3A_72 = tpu.memref_squeeze %dma_wait3A_71 : memref<1x128xi32, #tpu.memory_space<vmem>> -> memref<128xi32, #tpu.memory_space<vmem>>
        %dma_wait3A_73 = arith.constant 0 : i32
        %dma_wait3A_74 = arith.constant 0 : i32
        %dma_wait3A_75 = tpu.memref_slice %arg7[%dma_wait3A_73, %dma_wait3A_74] : memref<10112x128xf32, #tpu.memory_space<vmem_shared>> -> memref<10112x128xf32, #tpu.memory_space<vmem_shared>>
        tpu.wait_indirect_dma semaphore(%run_scoped3A : memref<!tpu.dma_semaphore, #tpu.memory_space<semaphore_mem>>) src(%arg10 : memref<128x128xf32, #tpu.memory_space<vmem>>) dst(%dma_wait3A_75 : memref<10112x128xf32, #tpu.memory_space<vmem_shared>>)
        tpu.yield
      }) : () -> ()
    }
    %while3A_19 = arith.constant 1 : i32
    scf.for %while3A_25 = %while3A_17 to %while3A_13 step %while3A_19  : i32 {
      %rem3A = arith.constant 40 : i32
      %rem3A_26 = arith.remsi %while3A_25, %rem3A : i32
      %eq3A_27 = arith.constant 0 : i32
      %eq3A_28 = arith.cmpi eq, %rem3A_26, %eq3A_27 : i32
      %convert_element_type3A = arith.extui %eq3A_28 : i1 to i32
      %cond3A = arith.constant 0 : i32
      %cond3A_29 = arith.cmpi ne, %convert_element_type3A, %cond3A : i32
      scf.if %cond3A_29 {
        %add3A_64 = arith.addi %select_n3A, %while3A_25 : i32
        %multiple_of3A = tpu.assume_multiple %add3A_64, 8 : i32
        "tpu.region"() ({
          %run_scoped3A = tpu.sem_alloc : memref<!tpu.dma_semaphore, #tpu.memory_space<semaphore_mem>>
          %dma_start3A_65 = arith.constant 0 : i32
          %dma_start3A_66 = tpu.memref_slice %arg3[%multiple_of3A, %dma_start3A_65] : memref<2560x128xi32, #tpu.memory_space<hbm>> -> memref<40x128xi32, #tpu.memory_space<hbm>>
          %dma_start3A_67 = arith.constant 0 : i32
          %dma_start3A_68 = tpu.memref_slice %arg3[%multiple_of3A, %dma_start3A_67] : memref<2560x128xi32, #tpu.memory_space<hbm>> -> memref<40x128xi32, #tpu.memory_space<hbm>>
          tpu.enqueue_dma source(%dma_start3A_68 : memref<40x128xi32, #tpu.memory_space<hbm>>) target(%arg8 : memref<40x128xi32, #tpu.memory_space<vmem>>) target_semaphore(%run_scoped3A : memref<!tpu.dma_semaphore, #tpu.memory_space<semaphore_mem>>)
          %dma_wait3A_69 = arith.constant 0 : i32
          %dma_wait3A_70 = tpu.memref_slice %arg3[%multiple_of3A, %dma_wait3A_69] : memref<2560x128xi32, #tpu.memory_space<hbm>> -> memref<40x128xi32, #tpu.memory_space<hbm>>
          %dma_wait3A_71 = arith.constant 0 : i32
          %dma_wait3A_72 = tpu.memref_slice %arg3[%multiple_of3A, %dma_wait3A_71] : memref<2560x128xi32, #tpu.memory_space<hbm>> -> memref<40x128xi32, #tpu.memory_space<hbm>>
          tpu.wait_dma2 semaphore(%run_scoped3A : memref<!tpu.dma_semaphore, #tpu.memory_space<semaphore_mem>>) src(%dma_wait3A_72 : memref<40x128xi32, #tpu.memory_space<hbm>>) dst(%arg8 : memref<40x128xi32, #tpu.memory_space<vmem>>)
          tpu.yield
        }) : () -> ()
        "tpu.region"() ({
          %run_scoped3A = tpu.sem_alloc : memref<!tpu.dma_semaphore, #tpu.memory_space<semaphore_mem>>
          %dma_start3A_65 = arith.constant 0 : i32
          %dma_start3A_66 = tpu.memref_slice %arg4[%multiple_of3A, %dma_start3A_65] : memref<2560x128xi32, #tpu.memory_space<hbm>> -> memref<40x128xi32, #tpu.memory_space<hbm>>
          %dma_start3A_67 = arith.constant 0 : i32
          %dma_start3A_68 = tpu.memref_slice %arg4[%multiple_of3A, %dma_start3A_67] : memref<2560x128xi32, #tpu.memory_space<hbm>> -> memref<40x128xi32, #tpu.memory_space<hbm>>
          tpu.enqueue_dma source(%dma_start3A_68 : memref<40x128xi32, #tpu.memory_space<hbm>>) target(%arg9 : memref<40x128xi32, #tpu.memory_space<vmem>>) target_semaphore(%run_scoped3A : memref<!tpu.dma_semaphore, #tpu.memory_space<semaphore_mem>>)
          %dma_wait3A_69 = arith.constant 0 : i32
          %dma_wait3A_70 = tpu.memref_slice %arg4[%multiple_of3A, %dma_wait3A_69] : memref<2560x128xi32, #tpu.memory_space<hbm>> -> memref<40x128xi32, #tpu.memory_space<hbm>>
          %dma_wait3A_71 = arith.constant 0 : i32
          %dma_wait3A_72 = tpu.memref_slice %arg4[%multiple_of3A, %dma_wait3A_71] : memref<2560x128xi32, #tpu.memory_space<hbm>> -> memref<40x128xi32, #tpu.memory_space<hbm>>
          tpu.wait_dma2 semaphore(%run_scoped3A : memref<!tpu.dma_semaphore, #tpu.memory_space<semaphore_mem>>) src(%dma_wait3A_72 : memref<40x128xi32, #tpu.memory_space<hbm>>) dst(%arg9 : memref<40x128xi32, #tpu.memory_space<vmem>>)
          tpu.yield
        }) : () -> ()
      } else {
      }
      %dma_start3A = arith.constant 0 : i32
      %dma_start3A_30 = arith.constant 0 : i32
      %dma_start3A_31 = tpu.memref_slice %arg10[%dma_start3A, %dma_start3A_30] : memref<128x128xf32, #tpu.memory_space<vmem>> -> memref<64x128xf32, #tpu.memory_space<vmem>>
      %dma_start3A_32 = arith.constant 0 : i32
      %dma_start3A_33 = tpu.memref_slice %arg8[%rem3A_26, %dma_start3A_32] : memref<40x128xi32, #tpu.memory_space<vmem>> -> memref<1x64xi32, #tpu.memory_space<vmem>>
      %dma_start3A_34 = tpu.memref_squeeze %dma_start3A_33 : memref<1x64xi32, #tpu.memory_space<vmem>> -> memref<64xi32, #tpu.memory_space<vmem>>
      %dma_start3A_35 = arith.constant 0 : i32
      %dma_start3A_36 = arith.constant 0 : i32
      %dma_start3A_37 = tpu.memref_slice %arg2[%dma_start3A_35, %dma_start3A_36] : memref<10000x128xf32, #tpu.memory_space<hbm>> -> memref<10000x128xf32, #tpu.memory_space<hbm>>
      tpu.enqueue_indirect_dma source(%dma_start3A_37 : memref<10000x128xf32, #tpu.memory_space<hbm>>) target(%dma_start3A_31 : memref<64x128xf32, #tpu.memory_space<vmem>>) offsets(%dma_start3A_34 : memref<64xi32, #tpu.memory_space<vmem>>) semaphore(%arg11 : memref<!tpu.dma_semaphore, #tpu.memory_space<semaphore_mem>>)
      %dma_start3A_38 = arith.constant 64 : i32
      %dma_start3A_39 = arith.constant 0 : i32
      %dma_start3A_40 = tpu.memref_slice %arg10[%dma_start3A_38, %dma_start3A_39] : memref<128x128xf32, #tpu.memory_space<vmem>> -> memref<64x128xf32, #tpu.memory_space<vmem>>
      %dma_start3A_41 = arith.constant 64 : i32
      %dma_start3A_42 = tpu.memref_slice %arg8[%rem3A_26, %dma_start3A_41] : memref<40x128xi32, #tpu.memory_space<vmem>> -> memref<1x64xi32, #tpu.memory_space<vmem>>
      %dma_start3A_43 = tpu.memref_squeeze %dma_start3A_42 : memref<1x64xi32, #tpu.memory_space<vmem>> -> memref<64xi32, #tpu.memory_space<vmem>>
      %dma_start3A_44 = arith.constant 0 : i32
      %dma_start3A_45 = arith.constant 0 : i32
      %dma_start3A_46 = tpu.memref_slice %arg2[%dma_start3A_44, %dma_start3A_45] : memref<10000x128xf32, #tpu.memory_space<hbm>> -> memref<10000x128xf32, #tpu.memory_space<hbm>>
      tpu.enqueue_indirect_dma source(%dma_start3A_46 : memref<10000x128xf32, #tpu.memory_space<hbm>>) target(%dma_start3A_40 : memref<64x128xf32, #tpu.memory_space<vmem>>) offsets(%dma_start3A_43 : memref<64xi32, #tpu.memory_space<vmem>>) semaphore(%arg12 : memref<!tpu.dma_semaphore, #tpu.memory_space<semaphore_mem>>)
      %dma_wait3A = arith.constant 0 : i32
      %dma_wait3A_47 = arith.constant 0 : i32
      %dma_wait3A_48 = tpu.memref_slice %arg10[%dma_wait3A, %dma_wait3A_47] : memref<128x128xf32, #tpu.memory_space<vmem>> -> memref<64x128xf32, #tpu.memory_space<vmem>>
      %dma_wait3A_49 = arith.constant 0 : i32
      %dma_wait3A_50 = tpu.memref_slice %arg8[%rem3A_26, %dma_wait3A_49] : memref<40x128xi32, #tpu.memory_space<vmem>> -> memref<1x64xi32, #tpu.memory_space<vmem>>
      %dma_wait3A_51 = tpu.memref_squeeze %dma_wait3A_50 : memref<1x64xi32, #tpu.memory_space<vmem>> -> memref<64xi32, #tpu.memory_space<vmem>>
      %dma_wait3A_52 = arith.constant 0 : i32
      %dma_wait3A_53 = arith.constant 0 : i32
      %dma_wait3A_54 = tpu.memref_slice %arg2[%dma_wait3A_52, %dma_wait3A_53] : memref<10000x128xf32, #tpu.memory_space<hbm>> -> memref<10000x128xf32, #tpu.memory_space<hbm>>
      tpu.wait_indirect_dma semaphore(%arg11 : memref<!tpu.dma_semaphore, #tpu.memory_space<semaphore_mem>>) src(%dma_wait3A_54 : memref<10000x128xf32, #tpu.memory_space<hbm>>) dst(%dma_wait3A_48 : memref<64x128xf32, #tpu.memory_space<vmem>>)
      %dma_wait3A_55 = arith.constant 64 : i32
      %dma_wait3A_56 = arith.constant 0 : i32
      %dma_wait3A_57 = tpu.memref_slice %arg10[%dma_wait3A_55, %dma_wait3A_56] : memref<128x128xf32, #tpu.memory_space<vmem>> -> memref<64x128xf32, #tpu.memory_space<vmem>>
      %dma_wait3A_58 = arith.constant 64 : i32
      %dma_wait3A_59 = tpu.memref_slice %arg8[%rem3A_26, %dma_wait3A_58] : memref<40x128xi32, #tpu.memory_space<vmem>> -> memref<1x64xi32, #tpu.memory_space<vmem>>
      %dma_wait3A_60 = tpu.memref_squeeze %dma_wait3A_59 : memref<1x64xi32, #tpu.memory_space<vmem>> -> memref<64xi32, #tpu.memory_space<vmem>>
      %dma_wait3A_61 = arith.constant 0 : i32
      %dma_wait3A_62 = arith.constant 0 : i32
      %dma_wait3A_63 = tpu.memref_slice %arg2[%dma_wait3A_61, %dma_wait3A_62] : memref<10000x128xf32, #tpu.memory_space<hbm>> -> memref<10000x128xf32, #tpu.memory_space<hbm>>
      tpu.wait_indirect_dma semaphore(%arg12 : memref<!tpu.dma_semaphore, #tpu.memory_space<semaphore_mem>>) src(%dma_wait3A_63 : memref<10000x128xf32, #tpu.memory_space<hbm>>) dst(%dma_wait3A_57 : memref<64x128xf32, #tpu.memory_space<vmem>>)
      "tpu.region"() ({
        %run_scoped3A = tpu.sem_alloc : memref<!tpu.dma_semaphore, #tpu.memory_space<semaphore_mem>>
        %dma_start3A_64 = arith.constant 0 : i32
        %dma_start3A_65 = tpu.memref_slice %arg9[%rem3A_26, %dma_start3A_64] : memref<40x128xi32, #tpu.memory_space<vmem>> -> memref<1x128xi32, #tpu.memory_space<vmem>>
        %dma_start3A_66 = tpu.memref_squeeze %dma_start3A_65 : memref<1x128xi32, #tpu.memory_space<vmem>> -> memref<128xi32, #tpu.memory_space<vmem>>
        %dma_start3A_67 = arith.constant 0 : i32
        %dma_start3A_68 = arith.constant 0 : i32
        %dma_start3A_69 = tpu.memref_slice %arg7[%dma_start3A_67, %dma_start3A_68] : memref<10112x128xf32, #tpu.memory_space<vmem_shared>> -> memref<10112x128xf32, #tpu.memory_space<vmem_shared>>
        tpu.enqueue_indirect_dma source(%arg10 : memref<128x128xf32, #tpu.memory_space<vmem>>) target(%dma_start3A_69 : memref<10112x128xf32, #tpu.memory_space<vmem_shared>>) offsets(%dma_start3A_66 : memref<128xi32, #tpu.memory_space<vmem>>) semaphore(%run_scoped3A : memref<!tpu.dma_semaphore, #tpu.memory_space<semaphore_mem>>) {add = true}
        %dma_wait3A_70 = arith.constant 0 : i32
        %dma_wait3A_71 = tpu.memref_slice %arg9[%rem3A_26, %dma_wait3A_70] : memref<40x128xi32, #tpu.memory_space<vmem>> -> memref<1x128xi32, #tpu.memory_space<vmem>>
        %dma_wait3A_72 = tpu.memref_squeeze %dma_wait3A_71 : memref<1x128xi32, #tpu.memory_space<vmem>> -> memref<128xi32, #tpu.memory_space<vmem>>
        %dma_wait3A_73 = arith.constant 0 : i32
        %dma_wait3A_74 = arith.constant 0 : i32
        %dma_wait3A_75 = tpu.memref_slice %arg7[%dma_wait3A_73, %dma_wait3A_74] : memref<10112x128xf32, #tpu.memory_space<vmem_shared>> -> memref<10112x128xf32, #tpu.memory_space<vmem_shared>>
        tpu.wait_indirect_dma semaphore(%run_scoped3A : memref<!tpu.dma_semaphore, #tpu.memory_space<semaphore_mem>>) src(%arg10 : memref<128x128xf32, #tpu.memory_space<vmem>>) dst(%dma_wait3A_75 : memref<10112x128xf32, #tpu.memory_space<vmem_shared>>)
        tpu.yield
      }) : () -> ()
    }
    %barrier3A_20 = arith.constant 0 : index
    tpu.barrier barrier_id(%barrier3A_20)
    %mul3A_21 = arith.constant 632 : i32
    %mul3A_22 = arith.muli %arg1, %mul3A_21 : i32
    %mul3A_23 = arith.constant 632 : i32
    %mul3A_24 = arith.muli %arg1, %mul3A_23 : i32
    "tpu.region"() ({
      %run_scoped3A = tpu.sem_alloc : memref<!tpu.dma_semaphore, #tpu.memory_space<semaphore_mem>>
      %dma_start3A = arith.constant 0 : i32
      %dma_start3A_25 = tpu.memref_slice %arg6[%arg0, %mul3A_24, %dma_start3A] : memref<2x10112x128xf32, #tpu.memory_space<hbm>> -> memref<1x632x128xf32, #tpu.memory_space<hbm>>
      %dma_start3A_26 = tpu.memref_squeeze %dma_start3A_25 : memref<1x632x128xf32, #tpu.memory_space<hbm>> -> memref<632x128xf32, #tpu.memory_space<hbm>>
      %dma_start3A_27 = arith.constant 0 : i32
      %dma_start3A_28 = tpu.memref_slice %arg7[%mul3A_22, %dma_start3A_27] : memref<10112x128xf32, #tpu.memory_space<vmem_shared>> -> memref<632x128xf32, #tpu.memory_space<vmem_shared>>
      tpu.enqueue_dma source(%dma_start3A_28 : memref<632x128xf32, #tpu.memory_space<vmem_shared>>) target(%dma_start3A_26 : memref<632x128xf32, #tpu.memory_space<hbm>>) target_semaphore(%run_scoped3A : memref<!tpu.dma_semaphore, #tpu.memory_space<semaphore_mem>>)
      %dma_wait3A = arith.constant 0 : i32
      %dma_wait3A_29 = tpu.memref_slice %arg6[%arg0, %mul3A_24, %dma_wait3A] : memref<2x10112x128xf32, #tpu.memory_space<hbm>> -> memref<1x632x128xf32, #tpu.memory_space<hbm>>
      %dma_wait3A_30 = tpu.memref_squeeze %dma_wait3A_29 : memref<1x632x128xf32, #tpu.memory_space<hbm>> -> memref<632x128xf32, #tpu.memory_space<hbm>>
      %dma_wait3A_31 = arith.constant 0 : i32
      %dma_wait3A_32 = tpu.memref_slice %arg7[%mul3A_22, %dma_wait3A_31] : memref<10112x128xf32, #tpu.memory_space<vmem_shared>> -> memref<632x128xf32, #tpu.memory_space<vmem_shared>>
      tpu.wait_dma2 semaphore(%run_scoped3A : memref<!tpu.dma_semaphore, #tpu.memory_space<semaphore_mem>>) src(%dma_wait3A_32 : memref<632x128xf32, #tpu.memory_space<vmem_shared>>) dst(%dma_wait3A_30 : memref<632x128xf32, #tpu.memory_space<hbm>>)
      tpu.yield
    }) : () -> ()
    return
  }
}

module attributes {stable_mosaic.version = 14 : i64} {
  func.func @body(%arg0: i32, %arg1: memref<1000x128xf32, #tpu.memory_space<vmem>>, %arg2: memref<1000x1xf32, #tpu.memory_space<vmem>>, %arg3: memref<1000x1xf32, #tpu.memory_space<vmem>>, %arg4: memref<1000x128xf32, #tpu.memory_space<vmem>>) attributes {dimension_semantics = [#tpu.dimension_semantics<arbitrary>], iteration_bounds = array<i64: 10>, scalar_prefetch = 0 : i64, scratch_operands = 0 : i64, tpu.core_type = #tpu.core_type<tc>, window_params = [{transform_indices = @transform_0, window_bounds = array<i64: 1000, 128>}, {transform_indices = @transform_1, window_bounds = array<i64: 1000, 1>}, {transform_indices = @transform_2, window_bounds = array<i64: 1000, 1>}, {transform_indices = @transform_3, window_bounds = array<i64: 1000, 128>}]} {
    %get3A = arith.constant 0 : index
    %get3A_0 = arith.constant 0 : index
    %get3A_1 = vector.load %arg2[%get3A, %get3A_0] : memref<1000x1xf32, #tpu.memory_space<vmem>>, vector<1000x1xf32>
    %get3A_2 = arith.constant 0 : index
    %get3A_3 = arith.constant 0 : index
    %get3A_4 = vector.load %arg3[%get3A_2, %get3A_3] : memref<1000x1xf32, #tpu.memory_space<vmem>>, vector<1000x1xf32>
    %add3A = arith.addf %get3A_1, %get3A_4 : vector<1000x1xf32>
    %add3A_5 = arith.constant 1.000000e+00 : f32
    %add3A_6 = vector.broadcast %add3A_5 : f32 to vector<1000x1xf32>
    %add3A_7 = arith.addf %add3A, %add3A_6 : vector<1000x1xf32>
    %rsqrt3A = math.rsqrt %add3A_7 : vector<1000x1xf32>
    %get3A_8 = arith.constant 0 : index
    %get3A_9 = arith.constant 0 : index
    %get3A_10 = vector.load %arg1[%get3A_8, %get3A_9] : memref<1000x128xf32, #tpu.memory_space<vmem>>, vector<1000x128xf32>
    %mul3A = vector.broadcast %rsqrt3A : vector<1000x1xf32> to vector<1000x128xf32>
    %mul3A_11 = arith.mulf %mul3A, %get3A_10 : vector<1000x128xf32>
    %swap3A = arith.constant 0 : index
    %swap3A_12 = arith.constant 0 : index
    %swap3A_13 = vector.load %arg4[%swap3A, %swap3A_12] : memref<1000x128xf32, #tpu.memory_space<vmem>>, vector<1000x128xf32>
    tpu.vector_store %arg4[%swap3A, %swap3A_12], %mul3A_11 {strides = array<i32>} : memref<1000x128xf32, #tpu.memory_space<vmem>>, vector<1000x128xf32>,
    return
  }
  func.func @transform_0(%arg0: i32) -> (i32, i32) {
    %c0_i32 = arith.constant 0 : i32
    %c0_i32_0 = arith.constant 0 : i32
    return %arg0, %c0_i32 : i32, i32
  }
  func.func @transform_1(%arg0: i32) -> (i32, i32) {
    %c0_i32 = arith.constant 0 : i32
    %c0_i32_0 = arith.constant 0 : i32
    return %arg0, %c0_i32 : i32, i32
  }
  func.func @transform_2(%arg0: i32) -> (i32, i32) {
    %c0_i32 = arith.constant 0 : i32
    %c0_i32_0 = arith.constant 0 : i32
    return %arg0, %c0_i32 : i32, i32
  }
  func.func @transform_3(%arg0: i32) -> (i32, i32) {
    %c0_i32 = arith.constant 0 : i32
    %c0_i32_0 = arith.constant 0 : i32
    return %arg0, %c0_i32 : i32, i32
  }
}

module attributes {stable_mosaic.version = 14 : i64} {
  func.func @body(%arg0: i32, %arg1: memref<1000x128xf32, #tpu.memory_space<vmem>>, %arg2: memref<1000x128xf32, #tpu.memory_space<vmem>>, %arg3: memref<1000x128xf32, #tpu.memory_space<vmem>>, %arg4: memref<1000x1xf32, #tpu.memory_space<vmem>>, %arg5: memref<1000x1xf32, #tpu.memory_space<vmem>>, %arg6: memref<128x256xf32, #tpu.memory_space<vmem>>, %arg7: memref<1x256xf32, #tpu.memory_space<vmem>>, %arg8: memref<256x128xf32, #tpu.memory_space<vmem>>, %arg9: memref<1000x128xf32, #tpu.memory_space<vmem>>) attributes {dimension_semantics = [#tpu.dimension_semantics<arbitrary>], iteration_bounds = array<i64: 10>, scalar_prefetch = 0 : i64, scratch_operands = 0 : i64, tpu.core_type = #tpu.core_type<tc>, window_params = [{transform_indices = @transform_0, window_bounds = array<i64: 1000, 128>}, {transform_indices = @transform_1, window_bounds = array<i64: 1000, 128>}, {transform_indices = @transform_2, window_bounds = array<i64: 1000, 128>}, {transform_indices = @transform_3, window_bounds = array<i64: 1000, 1>}, {transform_indices = @transform_4, window_bounds = array<i64: 1000, 1>}, {pipeline_mode = #tpu.pipeline_mode<synchronous>, transform_indices = @transform_5, window_bounds = array<i64: 128, 256>}, {pipeline_mode = #tpu.pipeline_mode<synchronous>, transform_indices = @transform_6, window_bounds = array<i64: 1, 256>}, {pipeline_mode = #tpu.pipeline_mode<synchronous>, transform_indices = @transform_7, window_bounds = array<i64: 256, 128>}, {transform_indices = @transform_8, window_bounds = array<i64: 1000, 128>}]} {
    %get3A = arith.constant 0 : index
    %get3A_0 = arith.constant 0 : index
    %get3A_1 = vector.load %arg4[%get3A, %get3A_0] : memref<1000x1xf32, #tpu.memory_space<vmem>>, vector<1000x1xf32>
    %get3A_2 = arith.constant 0 : index
    %get3A_3 = arith.constant 0 : index
    %get3A_4 = vector.load %arg5[%get3A_2, %get3A_3] : memref<1000x1xf32, #tpu.memory_space<vmem>>, vector<1000x1xf32>
    %add3A = arith.addf %get3A_1, %get3A_4 : vector<1000x1xf32>
    %add3A_5 = arith.constant 1.000000e+00 : f32
    %add3A_6 = vector.broadcast %add3A_5 : f32 to vector<1000x1xf32>
    %add3A_7 = arith.addf %add3A, %add3A_6 : vector<1000x1xf32>
    %rsqrt3A = math.rsqrt %add3A_7 : vector<1000x1xf32>
    %get3A_8 = arith.constant 0 : index
    %get3A_9 = arith.constant 0 : index
    %get3A_10 = vector.load %arg1[%get3A_8, %get3A_9] : memref<1000x128xf32, #tpu.memory_space<vmem>>, vector<1000x128xf32>
    %get3A_11 = arith.constant 0 : index
    %get3A_12 = arith.constant 0 : index
    %get3A_13 = vector.load %arg2[%get3A_11, %get3A_12] : memref<1000x128xf32, #tpu.memory_space<vmem>>, vector<1000x128xf32>
    %add3A_14 = arith.addf %get3A_10, %get3A_13 : vector<1000x128xf32>
    %get3A_15 = arith.constant 0 : index
    %get3A_16 = arith.constant 0 : index
    %get3A_17 = vector.load %arg3[%get3A_15, %get3A_16] : memref<1000x128xf32, #tpu.memory_space<vmem>>, vector<1000x128xf32>
    %add3A_18 = arith.addf %add3A_14, %get3A_17 : vector<1000x128xf32>
    %mul3A = vector.broadcast %rsqrt3A : vector<1000x1xf32> to vector<1000x128xf32>
    %mul3A_19 = arith.mulf %mul3A, %add3A_18 : vector<1000x128xf32>
    %get3A_20 = arith.constant 0 : index
    %get3A_21 = arith.constant 0 : index
    %get3A_22 = vector.load %arg6[%get3A_20, %get3A_21] : memref<128x256xf32, #tpu.memory_space<vmem>>, vector<128x256xf32>
    %dot_general3A = arith.constant dense<0.000000e+00> : vector<1000x256xf32>
    %dot_general3A_23 = tpu.matmul %mul3A_19, %get3A_22, %dot_general3A {dimension_numbers = #tpu.dot_dimension_numbers<[1], [0], [0], [1], [0, 0, 1, 1], [], []>, transpose_lhs_hint = false} : vector<1000x128xf32>, vector<128x256xf32>, vector<1000x256xf32> -> vector<1000x256xf32>
    %get3A_24 = arith.constant 0 : index
    %get3A_25 = arith.constant 0 : index
    %get3A_26 = vector.load %arg7[%get3A_24, %get3A_25] : memref<1x256xf32, #tpu.memory_space<vmem>>, vector<1x256xf32>
    %add3A_27 = vector.broadcast %get3A_26 : vector<1x256xf32> to vector<1000x256xf32>
    %add3A_28 = arith.addf %dot_general3A_23, %add3A_27 : vector<1000x256xf32>
    %max3A = arith.constant 0.000000e+00 : f32
    %max3A_29 = vector.broadcast %max3A : f32 to vector<1000x256xf32>
    %max3A_30 = arith.maximumf %add3A_28, %max3A_29 : vector<1000x256xf32>
    %get3A_31 = arith.constant 0 : index
    %get3A_32 = arith.constant 0 : index
    %get3A_33 = vector.load %arg8[%get3A_31, %get3A_32] : memref<256x128xf32, #tpu.memory_space<vmem>>, vector<256x128xf32>
    %dot_general3A_34 = arith.constant dense<0.000000e+00> : vector<1000x128xf32>
    %dot_general3A_35 = tpu.matmul %max3A_30, %get3A_33, %dot_general3A_34 {dimension_numbers = #tpu.dot_dimension_numbers<[1], [0], [0], [1], [0, 0, 1, 1], [], []>, transpose_lhs_hint = false} : vector<1000x256xf32>, vector<256x128xf32>, vector<1000x128xf32> -> vector<1000x128xf32>
    %mul3A_36 = vector.broadcast %rsqrt3A : vector<1000x1xf32> to vector<1000x128xf32>
    %mul3A_37 = arith.mulf %mul3A_36, %dot_general3A_35 : vector<1000x128xf32>
    %swap3A = arith.constant 0 : index
    %swap3A_38 = arith.constant 0 : index
    %swap3A_39 = vector.load %arg9[%swap3A, %swap3A_38] : memref<1000x128xf32, #tpu.memory_space<vmem>>, vector<1000x128xf32>
    tpu.vector_store %arg9[%swap3A, %swap3A_38], %mul3A_37 {strides = array<i32>} : memref<1000x128xf32, #tpu.memory_space<vmem>>, vector<1000x128xf32>,
    return
  }
  func.func @transform_0(%arg0: i32) -> (i32, i32) {
    %c0_i32 = arith.constant 0 : i32
    %c0_i32_0 = arith.constant 0 : i32
    return %arg0, %c0_i32 : i32, i32
  }
  func.func @transform_1(%arg0: i32) -> (i32, i32) {
    %c0_i32 = arith.constant 0 : i32
    %c0_i32_0 = arith.constant 0 : i32
    return %arg0, %c0_i32 : i32, i32
  }
  func.func @transform_2(%arg0: i32) -> (i32, i32) {
    %c0_i32 = arith.constant 0 : i32
    %c0_i32_0 = arith.constant 0 : i32
    return %arg0, %c0_i32 : i32, i32
  }
  func.func @transform_3(%arg0: i32) -> (i32, i32) {
    %c0_i32 = arith.constant 0 : i32
    %c0_i32_0 = arith.constant 0 : i32
    return %arg0, %c0_i32 : i32, i32
  }
  func.func @transform_4(%arg0: i32) -> (i32, i32) {
    %c0_i32 = arith.constant 0 : i32
    %c0_i32_0 = arith.constant 0 : i32
    return %arg0, %c0_i32 : i32, i32
  }
  func.func @transform_5(%arg0: i32) -> (i32, i32) {
    %c0_i32 = arith.constant 0 : i32
    %c0_i32_0 = arith.constant 0 : i32
    %c0_i32_1 = arith.constant 0 : i32
    return %c0_i32, %c0_i32_0 : i32, i32
  }
  func.func @transform_6(%arg0: i32) -> (i32, i32) {
    %c0_i32 = arith.constant 0 : i32
    %c0_i32_0 = arith.constant 0 : i32
    %c0_i32_1 = arith.constant 0 : i32
    return %c0_i32, %c0_i32_0 : i32, i32
  }
  func.func @transform_7(%arg0: i32) -> (i32, i32) {
    %c0_i32 = arith.constant 0 : i32
    %c0_i32_0 = arith.constant 0 : i32
    %c0_i32_1 = arith.constant 0 : i32
    return %c0_i32, %c0_i32_0 : i32, i32
  }
  func.func @transform_8(%arg0: i32) -> (i32, i32) {
    %c0_i32 = arith.constant 0 : i32
    %c0_i32_0 = arith.constant 0 : i32
    return %arg0, %c0_i32 : i32, i32
  }
}

module attributes {stable_mosaic.version = 14 : i64} {
  func.func @body(%arg0: i32, %arg1: memref<1000x128xf32, #tpu.memory_space<vmem>>, %arg2: memref<1000x128xf32, #tpu.memory_space<vmem>>, %arg3: memref<1000x128xf32, #tpu.memory_space<vmem>>, %arg4: memref<1000x1xf32, #tpu.memory_space<vmem>>, %arg5: memref<1000x1xf32, #tpu.memory_space<vmem>>, %arg6: memref<1x128xf32, #tpu.memory_space<vmem>>, %arg7: memref<1000x42xf32, #tpu.memory_space<vmem>>) attributes {dimension_semantics = [#tpu.dimension_semantics<arbitrary>], iteration_bounds = array<i64: 10>, scalar_prefetch = 0 : i64, scratch_operands = 0 : i64, tpu.core_type = #tpu.core_type<tc>, window_params = [{transform_indices = @transform_0, window_bounds = array<i64: 1000, 128>}, {transform_indices = @transform_1, window_bounds = array<i64: 1000, 128>}, {transform_indices = @transform_2, window_bounds = array<i64: 1000, 128>}, {transform_indices = @transform_3, window_bounds = array<i64: 1000, 1>}, {transform_indices = @transform_4, window_bounds = array<i64: 1000, 1>}, {pipeline_mode = #tpu.pipeline_mode<synchronous>, transform_indices = @transform_5, window_bounds = array<i64: 1, 128>}, {transform_indices = @transform_6, window_bounds = array<i64: 1000, 42>}]} {
    %get3A = arith.constant 0 : index
    %get3A_0 = arith.constant 0 : index
    %get3A_1 = vector.load %arg4[%get3A, %get3A_0] : memref<1000x1xf32, #tpu.memory_space<vmem>>, vector<1000x1xf32>
    %get3A_2 = arith.constant 0 : index
    %get3A_3 = arith.constant 0 : index
    %get3A_4 = vector.load %arg5[%get3A_2, %get3A_3] : memref<1000x1xf32, #tpu.memory_space<vmem>>, vector<1000x1xf32>
    %add3A = arith.addf %get3A_1, %get3A_4 : vector<1000x1xf32>
    %add3A_5 = arith.constant 1.000000e+00 : f32
    %add3A_6 = vector.broadcast %add3A_5 : f32 to vector<1000x1xf32>
    %add3A_7 = arith.addf %add3A, %add3A_6 : vector<1000x1xf32>
    %rsqrt3A = math.rsqrt %add3A_7 : vector<1000x1xf32>
    %get3A_8 = arith.constant 0 : index
    %get3A_9 = arith.constant 0 : index
    %get3A_10 = vector.load %arg1[%get3A_8, %get3A_9] : memref<1000x128xf32, #tpu.memory_space<vmem>>, vector<1000x128xf32>
    %get3A_11 = arith.constant 0 : index
    %get3A_12 = arith.constant 0 : index
    %get3A_13 = vector.load %arg2[%get3A_11, %get3A_12] : memref<1000x128xf32, #tpu.memory_space<vmem>>, vector<1000x128xf32>
    %add3A_14 = arith.addf %get3A_10, %get3A_13 : vector<1000x128xf32>
    %get3A_15 = arith.constant 0 : index
    %get3A_16 = arith.constant 0 : index
    %get3A_17 = vector.load %arg3[%get3A_15, %get3A_16] : memref<1000x128xf32, #tpu.memory_space<vmem>>, vector<1000x128xf32>
    %add3A_18 = arith.addf %add3A_14, %get3A_17 : vector<1000x128xf32>
    %mul3A = vector.broadcast %rsqrt3A : vector<1000x1xf32> to vector<1000x128xf32>
    %mul3A_19 = arith.mulf %mul3A, %add3A_18 : vector<1000x128xf32>
    %get3A_20 = arith.constant 0 : index
    %get3A_21 = arith.constant 0 : index
    %get3A_22 = vector.load %arg6[%get3A_20, %get3A_21] : memref<1x128xf32, #tpu.memory_space<vmem>>, vector<1x128xf32>
    %add3A_23 = vector.broadcast %get3A_22 : vector<1x128xf32> to vector<1000x128xf32>
    %add3A_24 = arith.addf %mul3A_19, %add3A_23 : vector<1000x128xf32>
    %reduce_max3A = arith.constant dense<0xFF800000> : vector<1000xf32>
    %reduce_max3A_25 = vector.multi_reduction <maximumf>, %add3A_24, %reduce_max3A [1] : vector<1000x128xf32> to vector<1000xf32>
    %broadcast_in_dim3A = vector.shape_cast %reduce_max3A_25 : vector<1000xf32> to vector<1000x1xf32>
    %sub3A = vector.broadcast %broadcast_in_dim3A : vector<1000x1xf32> to vector<1000x128xf32>
    %sub3A_26 = arith.subf %add3A_24, %sub3A : vector<1000x128xf32>
    %exp3A = math.exp %sub3A_26 : vector<1000x128xf32>
    %reduce_sum3A = arith.constant dense<0.000000e+00> : vector<1000xf32>
    %reduce_sum3A_27 = vector.multi_reduction <add>, %exp3A, %reduce_sum3A [1] : vector<1000x128xf32> to vector<1000xf32>
    %broadcast_in_dim3A_28 = vector.shape_cast %reduce_sum3A_27 : vector<1000xf32> to vector<1000x1xf32>
    %sub3A_29 = vector.broadcast %broadcast_in_dim3A : vector<1000x1xf32> to vector<1000x128xf32>
    %sub3A_30 = arith.subf %add3A_24, %sub3A_29 : vector<1000x128xf32>
    %log3A = math.log %broadcast_in_dim3A_28 : vector<1000x1xf32>
    %sub3A_31 = vector.broadcast %log3A : vector<1000x1xf32> to vector<1000x128xf32>
    %sub3A_32 = arith.subf %sub3A_30, %sub3A_31 : vector<1000x128xf32>
    %slice3A = vector.extract_strided_slice %sub3A_32 {offsets = [0, 0], sizes = [1000, 42], strides = [1, 1]} : vector<1000x128xf32> to vector<1000x42xf32>
    %swap3A = arith.constant 0 : index
    %swap3A_33 = arith.constant 0 : index
    %swap3A_34 = vector.load %arg7[%swap3A, %swap3A_33] : memref<1000x42xf32, #tpu.memory_space<vmem>>, vector<1000x42xf32>
    tpu.vector_store %arg7[%swap3A, %swap3A_33], %slice3A {strides = array<i32>} : memref<1000x42xf32, #tpu.memory_space<vmem>>, vector<1000x42xf32>,
    return
  }
  func.func @transform_0(%arg0: i32) -> (i32, i32) {
    %c0_i32 = arith.constant 0 : i32
    %c0_i32_0 = arith.constant 0 : i32
    return %arg0, %c0_i32 : i32, i32
  }
  func.func @transform_1(%arg0: i32) -> (i32, i32) {
    %c0_i32 = arith.constant 0 : i32
    %c0_i32_0 = arith.constant 0 : i32
    return %arg0, %c0_i32 : i32, i32
  }
  func.func @transform_2(%arg0: i32) -> (i32, i32) {
    %c0_i32 = arith.constant 0 : i32
    %c0_i32_0 = arith.constant 0 : i32
    return %arg0, %c0_i32 : i32, i32
  }
  func.func @transform_3(%arg0: i32) -> (i32, i32) {
    %c0_i32 = arith.constant 0 : i32
    %c0_i32_0 = arith.constant 0 : i32
    return %arg0, %c0_i32 : i32, i32
  }
  func.func @transform_4(%arg0: i32) -> (i32, i32) {
    %c0_i32 = arith.constant 0 : i32
    %c0_i32_0 = arith.constant 0 : i32
    return %arg0, %c0_i32 : i32, i32
  }
  func.func @transform_5(%arg0: i32) -> (i32, i32) {
    %c0_i32 = arith.constant 0 : i32
    %c0_i32_0 = arith.constant 0 : i32
    %c0_i32_1 = arith.constant 0 : i32
    return %c0_i32, %c0_i32_0 : i32, i32
  }
  func.func @transform_6(%arg0: i32) -> (i32, i32) {
    %c0_i32 = arith.constant 0 : i32
    %c0_i32_0 = arith.constant 0 : i32
    return %arg0, %c0_i32 : i32, i32
  }
}

</mosaic_0001>

<sc_bundles>
// kernel: kernel.11.cloned.1.call-start
scs
__scs_entry_jumppad:
0x0: {  	(pc) =	sbr.rel $0x88, $3  }
0x1: {  	(tag) =	ssettag $0x0;
	lr =	simm.s32 $0x1  }
0x2: {  	[smem:$0x3F9B] =	sst lr;
	_ =	strace $0xD0000000  }
0x3: {  	_ = 	snop  }
0x4: {  	_ = 	snop  }
0x5: {  	_ = 	snop  }
0x6: {  	_ = 	snop  }
0x7: {  	_ = 	snop  }
__scs_overlays_trampoline_lowered:
0x8: {  	[smem:$0x3FAA] =	sst s0  }
0x9: {  	[smem:$0x3FAB] =	sst s1  }
0xa: {  	[smem:$0x3FAC] =	sst s2  }
0xb: {  	[smem:$0x3FAD] =	sst s3  }
0xc: {  	[smem:$0x3FAE] =	sst s4  }
0xd: {  	[smem:$0x3FAF] =	sst s5  }
0xe: {  	[smem:$0x3FB0] =	sst s6  }
0xf: {  	[smem:$0x3FB1] =	sst s7  }
0x10: {  	[smem:$0x3FB2] =	sst s8  }
0x11: {  	[smem:$0x3FB3] =	sst s9;
	s0 =	simm.s32 @!p0 $0x0  }
0x12: {  	s1 =	sld [smem:$0x3F99];
	s0 =	simm.s32 @p0 $0x1  }
0x13: {  	[smem:$0x3FB4] =	sst s0;
	s0 =	simm.s32 @!p1 $0x0  }
0x14: {  	s2 =	sld [smem:$0x3F98];
	s0 =	simm.s32 @p1 $0x1  }
0x15: {  	[smem:$0x3FB5] =	sst s0;
	s0 =	simm.s32 @!p2 $0x0  }
0x16: {  	s3 =	sld [smem:$0x3FDB];
	s0 =	simm.s32 @p2 $0x1  }
0x17: {  	s4 =	simm.s32 $0x1BF5;
	[smem:$0x3FB7] =	sst s0  }
0x18: {  	s0 =	sld [smem:$0x3F9A];
	_ =	swait.ge [sflag:s4], $0x0  }
0x19: {  	s7 =	sld [smem:$0x3F9B]  }
0x1a: {  	s8 =	sadd.s32 $0xFFFFE003, lr  }
0x1b: {  	s9 =	sadd.s32 $0xFFFFFEF7, lr;
	s5 =	simm.s32 $0xFFFFFFFF;
	p2 =	slt.u32 s8, $0xFFFFF086  }
0x1c: {  	p1 =	slt.u32 s9, $0xF7A;
	s5 =	simm.s32 @!p2 $0x0  }
0x1d: {  	s5 =	simm.s32 @p1 $0x1;
	p0 =	seq.s32 s7, s2  }
0x1e: {  	s7 =	smul.u32 @!p0 $0xF7A, s2;
	p2 =	seq.s32 @!p0 s5, $0x0  }
0x1f: {  	s9 =	smul.u32 $0xF7A, s1;
	s8 =	simm.s32 @!p0 $0x1BF5;
	p2 =	por !p2, p0  }
0x20: {  	[sflag:s8] =	ssyncset.s32 @!p0 $0xFFFFF086;
	s6 =	sadd.s32 @!p0 s3, s7;
	s7 =	simm.s32 @!p0 $0x108  }
0x21: {  	s3 =	sadd.s32 s3, s9;
	s6 =	sadd.s32 @!p0 $0x88, s6;
	s7 =	simm.s32 @p2 $0x1082  }
0x22: {  	[simem:s7], [sflag:s8] =	dma.local @!p0 [hbm:s6], $0xF7A  }
0x23: {  	s9 =	sor.u32 $0xD0000000, s2;
	s6 =	simm.s32 $0x108;
	_ =	swait.ge @!p0 [sflag:s8], $0x0  }
0x24: {  	s3 =	sadd.s32 $0x88, s3;
	s6 =	simm.s32 @!p1 $0x1082;
	[sflag:s4] =	ssyncset.s32 $0xFFFFF086  }
0x25: {  	[simem:s6], [sflag:s4] =	dma.local [hbm:s3], $0xF7A  }
0x26: {  	[smem:$0x3F9B] =	sst s1;
	(tag) =	ssettag s2;
	_ =	strace s9  }
0x27: {  	s1 =	sld [smem:$0x3FAB]  }
0x28: {  	s2 =	sld [smem:$0x3FAC]  }
0x29: {  	s4 =	sld [smem:$0x3FAE]  }
0x2a: {  	p0 =	seq.s32 s5, $0x0;
	s5 =	sld [smem:$0x3FAF]  }
0x2b: {  	s6 =	sld [smem:$0x3FB0]  }
0x2c: {  	s7 =	sld [smem:$0x3FB1]  }
0x2d: {  	s3 =	simm.s32 $0x108;
	s8 =	sld [smem:$0x3FB2]  }
0x2e: {  	s3 =	simm.s32 @!p0 $0x1082;
	s9 =	sld [smem:$0x3FB3]  }
0x2f: {  	lr =	sadd.s32 s0, s3;
	s0 =	sld [smem:$0x3FAA]  }
0x30: {  	s3 =	sld [smem:$0x3FAD]  }
0x31: {  	[smem:$0x3FB6] =	sst s10  }
0x32: {  	s10 =	sld [smem:$0x3FB4];
	_ =	sdelay $0x3  }
0x33: {  	p0 =	seq.s32 s10, $0x1;
	s10 =	sld [smem:$0x3FB6];
	_ =	sdelay $0x3  }
0x34: {  	[smem:$0x3FB6] =	sst s10  }
0x35: {  	s10 =	sld [smem:$0x3FB5];
	_ =	sdelay $0x3  }
0x36: {  	p1 =	seq.s32 s10, $0x1;
	s10 =	sld [smem:$0x3FB6];
	_ =	sdelay $0x3  }
0x37: {  	[smem:$0x3FB6] =	sst s10  }
0x38: {  	s10 =	sld [smem:$0x3FB7]  }
0x39: {  	_ = 	snop;
	(pc) =	sbr.ind lr, $3  }
0x3a: {  	_ = 	snop  }
0x3b: {  	_ = 	snop  }
0x3c: {  	p2 =	seq.s32 s10, $0x1;
	s10 =	sld [smem:$0x3FB6]  }
0x3d: {  	_ =	shalt  }
0x3e: {  	_ =	shalt  }
0x3f: {  	_ =	shalt  }
0x40: {  	_ =	shalt  }
0x41: {  	_ =	shalt  }
0x42: {  	_ =	shalt  }
0x43: {  	_ =	shalt  }
0x44: {  	_ =	shalt  }
0x45: {  	_ =	shalt  }
0x46: {  	_ =	shalt  }
0x47: {  	_ =	shalt  }
0x48: {  	_ =	shalt  }
0x49: {  	_ =	shalt  }
0x4a: {  	_ =	shalt  }
0x4b: {  	_ =	shalt  }
0x4c: {  	_ =	shalt  }
0x4d: {  	_ =	shalt  }
0x4e: {  	_ =	shalt  }
0x4f: {  	_ =	shalt  }
0x50: {  	_ =	shalt  }
0x51: {  	_ =	shalt  }
0x52: {  	_ =	shalt  }
0x53: {  	_ =	shalt  }
0x54: {  	_ =	shalt  }
0x55: {  	_ =	shalt  }
0x56: {  	_ =	shalt  }
0x57: {  	_ =	shalt  }
0x58: {  	_ =	shalt  }
0x59: {  	_ =	shalt  }
0x5a: {  	_ =	shalt  }
0x5b: {  	_ =	shalt  }
0x5c: {  	_ =	shalt  }
0x5d: {  	_ =	shalt  }
0x5e: {  	_ =	shalt  }
0x5f: {  	_ =	shalt  }
0x60: {  	_ =	shalt  }
0x61: {  	_ =	shalt  }
0x62: {  	_ =	shalt  }
0x63: {  	_ =	shalt  }
0x64: {  	_ =	shalt  }
0x65: {  	_ =	shalt  }
0x66: {  	_ =	shalt  }
0x67: {  	_ =	shalt  }
0x68: {  	_ =	shalt  }
0x69: {  	_ =	shalt  }
0x6a: {  	_ =	shalt  }
0x6b: {  	_ =	shalt  }
0x6c: {  	_ =	shalt  }
0x6d: {  	_ =	shalt  }
0x6e: {  	_ =	shalt  }
0x6f: {  	_ =	shalt  }
0x70: {  	_ =	shalt  }
0x71: {  	_ =	shalt  }
0x72: {  	_ =	shalt  }
0x73: {  	_ =	shalt  }
0x74: {  	_ =	shalt  }
0x75: {  	_ =	shalt  }
0x76: {  	_ =	shalt  }
0x77: {  	_ =	shalt  }
0x78: {  	_ =	shalt  }
0x79: {  	_ =	shalt  }
0x7a: {  	_ =	shalt  }
0x7b: {  	_ =	shalt  }
0x7c: {  	_ =	shalt  }
0x7d: {  	_ =	shalt  }
0x7e: {  	_ =	shalt  }
0x7f: {  	_ =	shalt  }
0x80: {  	_ =	shalt  }
0x81: {  	_ =	shalt  }
0x82: {  	_ =	shalt  }
0x83: {  	_ =	shalt  }
0x84: {  	_ =	shalt  }
0x85: {  	_ =	shalt  }
0x86: {  	_ =	shalt  }
0x87: {  	_ =	shalt  }
.Lfunc_end0:
.L_simem_size_0:
called_computation.1_lowered:
.L_overlay_start_0:
0x88: {  	s2 =	sld [smem:$0x3FD9]  }
0x89: {  	s3 =	sld [smem:$0x3FFE];
	_ =	sdelay $0x1  }
0x8a: {  	s1 =	srdreg.scid  }
0x8b: {  	s0 =	sand.u32 $0x1, s1  }
0x8c: {  	s17 =	sshll.u32 s0, $0xA;
	s2 =	sadd.s32 s3, s2  }
0x8d: {  	s2 =	sadd.s32 s2, s17  }
0x8e: {  	[smem:$0x3FC2] =	sst s2  }
0x8f: {  	_ = 	snop  }
0x90: {  	s2 =	sld [smem:$0x3FD0];
	(tm) =	ssettm $0x1  }
0x91: {  	s18 =	sld [smem:$0x3FFB];
	_ =	sdelay $0x3  }
0x92: {  	_ =	strace s18  }
0x93: {  	s3 =	sld [smem:$0x3FFC];
	_ =	sdelay $0x3  }
0x94: {  	_ =	strace s3  }
0x95: {  	s3 =	sld [smem:$0x3FFD];
	_ =	sdelay $0x3  }
0x96: {  	_ =	strace s3  }
0x97: {  	_ =	strace $0x8FFFFFFF  }
0x98: {  	s19 =	sld [smem:$0x3FDB];
	_ =	sdelay $0x1  }
0x99: {  	s4 =	simm.s32 $_scs_section_size  }
0x9a: {  	s5 =	simm.s32 $_size__tile_overlayer_lowered;
	s6 =	simm.s32 $_tile_overlayer_lowered  }
0x9b: {  	s22 =	simm.s32 $0x1BFF;
	s21 =	sshll.u32 s6, $0x1;
	s3 =	sadd.s32 s4, s19  }
0x9c: {  	s7 =	simm.s32 $0x0;
	s20 =	sshll.u32 s5, $0x1;
	s5 =	sadd.s32 s21, s3  }
0x9d: {  	[timem:s7], [sflag:s22] =	dma.local [hbm:s5], s20  }
0x9e: {  	_ =	swait.ge [sflag:s22], s20  }
0x9f: {  	s4 =	ssub.s32 $0x0, s20;
	[sflag:s22] =	ssyncset.done $0x0  }
0xa0: {  	[sflag:s22] =	ssyncadd.s32 s4;
	_ =	sdelay $0x1  }
0xa1: {  	s23 =	simm.s32 $0x1B8B  }
0xa2: {  	_ =	swait.ge [sflag:s23], $0x1  }
0xa3: {  	[sflag:s23] =	ssyncset.done $0x0  }
0xa4: {  	s25 =	simm.s32 $0x1B8E;
	s24 =	sld [smem:$0x3FFE];
	[sflag:s23] =	ssyncadd.s32 $0xFFFFFFFF  }
0xa5: {  	s26 =	simm.s32 $execute0_lowered;
	[smem:$0x3FD2] =	sst s25  }
0xa6: {  	s5 =	sshll.u32 s26, $0x1;
	_ =	strace $0x80000049;
	[dreg:$0x1] =	wrdreg $0xFFFFFFFF  }
0xa7: {  	s28 =	simm.s32 $_size_execute0_lowered;
	s3 =	sadd.s32 s3, s5;
	[dreg:$0x0] =	wrdreg $0x0  }
0xa8: {  	s5 =	sshll.u32 s28, $0x1;
	[dreg:$0x2] =	wrdreg s3  }
0xa9: {  	[dreg:$0x3] =	wrdreg s5  }
0xaa: {  	[dreg:$0x4] =	wrdreg $0xC0  }
0xab: {  	_ =	task [dreg:s7], $0x5FFFF  }
0xac: {  	[dreg:$0x1] =	wrdreg $0xFFFFFFFF  }
0xad: {  	[dreg:$0x0] =	wrdreg $0x60  }
0xae: {  	[dreg:$0x2] =	wrdreg s24  }
0xaf: {  	[dreg:$0x3] =	wrdreg s2  }
0xb0: {  	[dreg:$0x4] =	wrdreg $0x0  }
0xb1: {  	[dreg:$0x5] =	wrdreg $0x9  }
0xb2: {  	_ =	task.clear_ibuf [dreg:s7], $0x6FFFF;
	_ =	strace $0x90000049  }
0xb3: {  	s29 =	simm.s32 $0x9;
	_ =	strace $0x8000004B  }
0xb4: {  	_ =	swait.ge [sflag:s29], $0x1  }
0xb5: {  	[sflag:s29] =	ssyncadd.s32 $0xFFFFFFFF  }
0xb6: {  	_ =	strace $0x9000004B  }
0xb7: {  	_ =	sfence  }
0xb8: {  	s30 =	sld [smem:$0x0];
	_ =	sdelay $0x2  }
0xb9: {  	s31 =	sshll.u32 s1, $0xD;
	s1 =	sshrl.u32 s1, $0x2  }
0xba: {  	s3 =	sand.u32 $0x4000, s31;
	s1 =	sadd.s32 s1, s30  }
0xbb: {  	s0 =	sor.u32 s3, s0;
	s1 =	sshll.u32 s1, $0x11  }
0xbc: {  	s0 =	sor.u32 s1, s0  }
0xbd: {  	s0 =	sadd.s32 $0x8F2B, s0  }
0xbe: {  	[sflag:s0] =	ssyncadd.remote.s32 $0x1  }
0xbf: {  	_ =	sfence.sel $0xFFFF  }
0xc0: {  	[dreg:$0x0] =	wrdreg $0xFFFFFFFF;
	(pc) =	sbr.abs _section_cstart, $3  }
0xc1: {  	[dreg:$0x1] =	wrdreg $0xFFFFFFFF  }
0xc2: {  	_ =	task.clear_ibuf [dreg:s7], $0x2FFFF;
	_ =	strace $0x9FFFFFFF  }
0xc3: {  	(tm) =	ssettm $0x7FFFFFFF  }
tec
execute0_lowered:
.L_overlay_start_1:
0x0: {  	(tag) =	ssettag $0x1  }
0x1: {  	s6 =	rddreg [dreg:$0x0]  }
0x2: {  	s0 =	rddreg [dreg:$0x1]  }
0x3: {  	s1 =	rddreg [dreg:$0x2];
	s2 =	srdreg.scid  }
0x4: {  	s3 =	simm.s32 $0x0;
	s13 =	simm.s32 $0x40;
	s14 =	simm.s32 $0x16400  }
0x5: {  	s15 =	simm.s32 $0x18400;
	s17 =	simm.s32 $0x80;
	[dreg:$0x5] =	wrdreg s0  }
0x6: {  	s0 =	rddreg [dreg:$0x3];
	s7 =	sand.u32 $0x1, s2;
	s2 =	stileid.u32  }
0x7: {  	s16 =	simm.s32 $0x2;
	[smem:$0x7FF] =	sst s3;
	s5 =	smul.u32 $0x13C000, s7  }
0x8: {  	s4 =	sadd.s32 $0x5E000, s6;
	s9 =	sadd.s32 $0x3400, s6;
	s8 =	smul.u32 $0x13C00, s2  }
0x9: {  	_ =	strace $0x8000004A;
	[dreg:$0x4] =	wrdreg s9;
	s29 =	smul.u32 $0x4F000, s2  }
0xa: {  	s30 =	ssub.s32 $0x2, s7;
	s11 =	smul.u32 $0x28, s2;
	s31 =	sshll.u32 s2, $0x6  }
0xb: {  	p0 =	seq.s32 s7, $0x0;
	s7 =	simm.s32 $0x78;
	[dreg:$0x6] =	wrdreg s15  }
0xc: {  	s15 =	simm.s32 $0x1;
	[dreg:$0x7] =	wrdreg s17;
	s17 =	simm.s32 $0x0  }
0xd: {  	s10 =	sshrl.u32 s30, $0x1;
	s7 =	simm.s32 @!p0 $0x28;
	s5 =	sadd.s32 s8, s5  }
0xe: {  	s9 =	sshrl.u32 s29, $0x2;
	s10 =	ssub.s32 s30, s10;
	s11 =	sadd.s32 $0x780, s11  }
0xf: {  	s8 =	sshrl.u32 s5, $0x3;
	s12 =	sadd.s32 s9, s1;
	s9 =	smul.u32 $0x78, s2  }
0x10: {  	s5 =	sadd.s32 $0xD400, s6;
	s8 =	sadd.s32 s8, s6;
	s6 =	sor.u32 $0x1C03, s31  }
0x11: {  	s11 =	smov.u32 @p0 s9;
	s8 =	sadd.s32 $0x85200, s8;
	s9 =	smax.u32 s10, $0x1  }
0x12: {  	s10 =	sshll.u32 s11, $0x4;
	s11 =	sshrl.u32 s12, $0x3;
	s12 =	simm.s32 $0x3  }
.LBB2_1:
0x13: {  	[spmem:s11], [sflag:s6] =	dma.local [hbm:s5], $0x2780  }
0x14: {  	s21 =	sadd.s32 $0xFFFFFFFF, s7  }
0x15: {  	s18 =	smulhi.u32 $0xCCCCCCCD, s3;
	p1 =	sne.s32 s21, $0x0  }
.Ltmp0:
0x16: {  	_ =	swait.ge [sflag:s12], $0x2780;
	(pc) =	sbr.rel @!p1 .LBB2_2-.Ltmp0, $4  }
0x17: {  	[sflag:s12] =	ssyncset.done $0x0;
	s20 =	sshrl.u32 s18, $0x5  }
0x18: {  	[sflag:s12] =	ssyncadd.s32 $0xFFFFD880;
	s22 =	smul.u32 $0x28, s20  }
0x19: {  	s19 =	simm.s32 $0x13C00;
	p0 =	por $0x0, $0x0;
	[bflag:$0x0] =	sbarrier.arrive $0xFFFF  }
0x1a: {  	s18 =	simm.s32 $0x15000;
	s24 =	smul.u32 $0xFFFFB000, s20;
	s25 =	sadd.s32 $0x0, s22  }
0x1b: {  	p0 =	sne.s32 s25, $0x0  }
0x1c: {  	s18 =	rddreg [dreg:$0x4];
	s19 =	sand.u32 @!p0 $0xFFFFF80, s10;
	s20 =	simm.s32 @!p0 $0x3  }
0x1d: {  	s22 =	simm.s32 @!p0 $0x0;
	s23 =	simm.s32 @!p0 $0x13C00;
	s18 =	sadd.s32 @!p0 s18, s19  }
0x1e: {  	[tilespmem:s23], [sflag:$0x3] =	stream.linear.gather @!p0 [hbm4b:s18+s22], $0x1400, $0x38;
	[tilespmem:$0x1A400] =	vst v63  }
0x1f: {  	_ =	swait.ge @!p0 [sflag:s20], $0x1400  }
0x20: {  	s18 =	rddreg [dreg:$0x5];
	[sflag:s20] =	ssyncset.done @!p0 $0x0  }
0x21: {  	[sflag:s20] =	ssyncadd.s32 @!p0 $0xFFFFEC00;
	s18 =	sadd.s32 @!p0 s18, s19;
	s19 =	simm.s32 @!p0 $0x15000  }
0x22: {  	[tilespmem:s19], [sflag:$0x3] =	stream.linear.gather @!p0 [hbm4b:s18+s22], $0x1400, $0x38;
	[tilespmem:$0x1A400] =	vst v63  }
0x23: {  	_ =	swait.ge @!p0 [sflag:s20], $0x1400  }
0x24: {  	s25 =	sshra.s32 s24, $0x2;
	[sflag:s20] =	ssyncset.done @!p0 $0x0  }
0x25: {  	s21 =	sadd.s32 $0xFFFFFFFF, s21;
	s26 =	sadd.s32 $0x13C00, s25;
	[sflag:s20] =	ssyncadd.s32 @!p0 $0xFFFFEC00  }
0x26: {  	[tilespmem:s14], [sflag:$0x1] =	stream.indirect.gather [hbm4b:s4+s13], $0x80, s26, s13, $0xb8;
	[tilespmem:$0x1A400] =	vst v63  }
0x27: {  	p1 =	sne.s32 s21, $0x0;
	s18 =	sadd.s32 $0x40, s26;
	s28 =	rddreg [dreg:$0x6]  }
0x28: {  	[tilespmem:s28], [sflag:$0x2] =	stream.indirect.gather [hbm4b:s4+s13], $0x80, s18, s13, $0xb8;
	[tilespmem:$0x1A400] =	vst v63  }
0x29: {  	s23 =	simm.s32 $0xFFFFFFFF;
	s20 =	simm.s32 $0x1;
	_ =	swait.ge [sflag:s15], $0x2000  }
0x2a: {  	s19 =	simm.s32 $0x13C80;
	s29 =	smulhi.u32 $0xCCCCCCCD, s20;
	[sflag:s15] =	ssyncset.done $0x0  }
0x2b: {  	s22 =	sadd.s32 $0x15000, s25;
	p0 =	por $0x1, $0x1;
	[sflag:s15] =	ssyncadd.s32 $0xFFFFE000  }
.Ltmp1:
0x2c: {  	s26 =	sshrl.u32 s29, $0x5;
	_ =	swait.ge [sflag:s16], $0x2000;
	(pc) =	sbr.rel @!p1 .LBB2_5-.Ltmp1, $4  }
0x2d: {  	s18 =	simm.s32 $0x15080;
	s31 =	smul.u32 $0x28, s26;
	[sflag:s16] =	ssyncset.done $0x0  }
0x2e: {  	s24 =	smul.u32 $0xFFFFB000, s26;
	s30 =	rddreg [dreg:$0x7];
	[sflag:s16] =	ssyncadd.s32 $0xFFFFE000  }
0x2f: {  	[spmem:s1] =	stream.indirect.scatter.add.f32 [tilespmem:s14], [sflag:$0x3], $0x80, s22, s30, $0xb8;
	[tilespmem:$0x1A400] =	vst v63  }
0x30: {  	s25 =	sadd.s32 $0xFFFFFFFF, s31;
	s22 =	sadd.s32 $0x10, s10;
	_ =	swait.ge [sflag:s12], $0x4000  }
.LBB2_4:
0x31: {  	p2 =	sne.s32 s25, $0x0;
	s25 =	rddreg [dreg:$0x4];
	[sflag:s12] =	ssyncset.done $0x0  }
0x32: {  	s26 =	sand.u32 @!p2 $0xFFFFF80, s22;
	[sflag:s12] =	ssyncadd.s32 $0xFFFFC000;
	s28 =	simm.s32 @!p2 $0x3  }
0x33: {  	s30 =	simm.s32 @!p2 $0x0;
	s31 =	simm.s32 @!p2 $0x13C00;
	s25 =	sadd.s32 @!p2 s25, s26  }
0x34: {  	[tilespmem:s31], [sflag:$0x3] =	stream.linear.gather @!p2 [hbm4b:s25+s30], $0x1400, $0x38;
	[tilespmem:$0x1A400] =	vst v63  }
0x35: {  	_ =	swait.ge @!p2 [sflag:s28], $0x1400  }
0x36: {  	[sflag:s28] =	ssyncset.done @!p2 $0x0;
	s25 =	rddreg [dreg:$0x5]  }
0x37: {  	[sflag:s28] =	ssyncadd.s32 @!p2 $0xFFFFEC00;
	s25 =	sadd.s32 @!p2 s25, s26;
	s26 =	simm.s32 @!p2 $0x15000  }
0x38: {  	[tilespmem:s26], [sflag:$0x3] =	stream.linear.gather @!p2 [hbm4b:s25+s30], $0x1400, $0x38;
	[tilespmem:$0x1A400] =	vst v63  }
0x39: {  	_ =	swait.ge @!p2 [sflag:s28], $0x1400  }
0x3a: {  	s24 =	sshra.s32 s24, $0x2;
	[sflag:s28] =	ssyncset.done @!p2 $0x0  }
0x3b: {  	s21 =	sadd.s32 $0xFFFFFFFF, s21;
	s30 =	sadd.s32 s24, s19;
	[sflag:s28] =	ssyncadd.s32 @!p2 $0xFFFFEC00  }
0x3c: {  	[tilespmem:s14], [sflag:$0x1] =	stream.indirect.gather [hbm4b:s4+s13], $0x80, s30, s13, $0xb8;
	[tilespmem:$0x1A400] =	vst v63  }
0x3d: {  	s29 =	smov.u32 s18;
	s25 =	sadd.s32 $0x40, s30;
	s31 =	rddreg [dreg:$0x6]  }
0x3e: {  	[tilespmem:s31], [sflag:$0x2] =	stream.indirect.gather [hbm4b:s4+s13], $0x80, s25, s13, $0xb8;
	[tilespmem:$0x1A400] =	vst v63  }
0x3f: {  	s20 =	sadd.s32 $0x1, s20;
	s18 =	sadd.s32 $0x80, s18;
	_ =	swait.ge [sflag:s15], $0x2000  }
0x40: {  	s23 =	sadd.s32 $0xFFFFFFFF, s23;
	p1 =	sne.s32 s21, $0x0;
	[sflag:s15] =	ssyncset.done $0x0  }
0x41: {  	s22 =	sadd.s32 $0x10, s22;
	s28 =	smulhi.u32 $0xCCCCCCCD, s20;
	[sflag:s15] =	ssyncadd.s32 $0xFFFFE000  }
.Ltmp2:
0x42: {  	s19 =	sadd.s32 $0x80, s19;
	_ =	swait.ge [sflag:s16], $0x2000;
	(pc) =	sbr.rel @p1 .LBB2_4-.Ltmp2, $4  }
0x43: {  	s24 =	sadd.s32 s24, s29;
	s31 =	sshrl.u32 s28, $0x5;
	[sflag:s16] =	ssyncset.done $0x0  }
0x44: {  	s25 =	smul.u32 $0x28, s31;
	s30 =	rddreg [dreg:$0x7];
	[sflag:s16] =	ssyncadd.s32 $0xFFFFE000  }
0x45: {  	[spmem:s1] =	stream.indirect.scatter.add.f32 [tilespmem:s14], [sflag:$0x3], $0x80, s24, s30, $0xb8;
	[tilespmem:$0x1A400] =	vst v63  }
0x46: {  	s25 =	sadd.s32 s25, s23;
	s24 =	smul.u32 $0xFFFFB000, s31;
	_ =	swait.ge [sflag:s12], $0x4000  }
.LBB2_5:
0x47: {  	s20 =	rddreg [dreg:$0x4];
	p1 =	sne.s32 s25, $0x0;
	[sflag:s12] =	ssyncset.done @p0 $0x0  }
0x48: {  	s21 =	sand.u32 @!p1 $0xFFFFF80, s22;
	[sflag:s12] =	ssyncadd.s32 @p0 $0xFFFFC000;
	s22 =	simm.s32 @!p1 $0x3  }
0x49: {  	s23 =	simm.s32 @!p1 $0x0;
	s25 =	simm.s32 @!p1 $0x13C00;
	s20 =	sadd.s32 @!p1 s20, s21  }
0x4a: {  	[tilespmem:s25], [sflag:$0x3] =	stream.linear.gather @!p1 [hbm4b:s20+s23], $0x1400, $0x38;
	[tilespmem:$0x1A400] =	vst v63  }
0x4b: {  	_ =	swait.ge @!p1 [sflag:s22], $0x1400  }
0x4c: {  	s20 =	rddreg [dreg:$0x5];
	[sflag:s22] =	ssyncset.done @!p1 $0x0  }
0x4d: {  	[sflag:s22] =	ssyncadd.s32 @!p1 $0xFFFFEC00;
	s20 =	sadd.s32 @!p1 s20, s21;
	s21 =	simm.s32 @!p1 $0x15000  }
0x4e: {  	[tilespmem:s21], [sflag:$0x3] =	stream.linear.gather @!p1 [hbm4b:s20+s23], $0x1400, $0x38;
	[tilespmem:$0x1A400] =	vst v63  }
0x4f: {  	_ =	swait.ge @!p1 [sflag:s22], $0x1400  }
0x50: {  	s29 =	sshra.s32 s24, $0x2;
	[sflag:s22] =	ssyncset.done @!p1 $0x0  }
0x51: {  	s19 =	sadd.s32 s29, s19;
	[sflag:s22] =	ssyncadd.s32 @!p1 $0xFFFFEC00  }
0x52: {  	[tilespmem:s14], [sflag:$0x1] =	stream.indirect.gather [hbm4b:s4+s13], $0x80, s19, s13, $0xb8;
	[tilespmem:$0x1A400] =	vst v63  }
0x53: {  	s30 =	rddreg [dreg:$0x6];
	s19 =	sadd.s32 $0x40, s19  }
0x54: {  	[tilespmem:s30], [sflag:$0x2] =	stream.indirect.gather [hbm4b:s4+s13], $0x80, s19, s13, $0xb8;
	[tilespmem:$0x1A400] =	vst v63  }
0x55: {  	_ =	swait.ge [sflag:s15], $0x2000  }
0x56: {  	[sflag:s15] =	ssyncset.done $0x0  }
0x57: {  	[sflag:s15] =	ssyncadd.s32 $0xFFFFE000  }
0x58: {  	_ =	swait.ge [sflag:s16], $0x2000  }
0x59: {  	[sflag:s16] =	ssyncset.done $0x0  }
0x5a: {  	s18 =	sadd.s32 s29, s18;
	s31 =	rddreg [dreg:$0x7];
	[sflag:s16] =	ssyncadd.s32 $0xFFFFE000  }
0x5b: {  	[spmem:s1] =	stream.indirect.scatter.add.f32 [tilespmem:s14], [sflag:$0x3], $0x80, s18, s31, $0xb8;
	[tilespmem:$0x1A400] =	vst v63  }
0x5c: {  	_ =	swait.ge [sflag:s12], $0x4000  }
0x5d: {  	[sflag:s12] =	ssyncset.done $0x0  }
0x5e: {  	s17 =	sadd.s32 $0x1, s17;
	[sflag:s12] =	ssyncadd.s32 $0xFFFFC000  }
0x5f: {  	p0 =	sne.s32 s17, s9;
	[bflag:$0x0] =	sbarrier.arrive $0xFFFF  }
0x60: {  	[hbm:s8], [sflag:s6] =	dma.local [spmem:s11], $0x2780  }
.Ltmp3:
0x61: {  	_ = 	snop;
	(pc) =	sbr.rel @p0 .LBB2_1-.Ltmp3, $4  }
.Ltmp4:
0x62: {  	_ = 	snop;
	(pc) =	sbr.rel @!p0 .LBB2_6-.Ltmp4, $4  }
0x63: {  	_ =	swait.ge [sflag:s12], $0x2780  }
0x64: {  	[sflag:s12] =	ssyncset.done $0x0  }
0x65: {  	[sflag:s12] =	ssyncadd.s32 $0xFFFFD880  }
0x66: {  	_ = 	snop  }
.LBB2_2:
.Ltmp5:
0x67: {  	(pc) =	sbr.rel .LBB2_5-.Ltmp5, $2  }
0x68: {  	_ =	sdelay $0x2  }
0x69: {  	s22 =	smov.u32 s10  }
.LBB2_6:
0x6a: {  	_ =	sfence.sel $0x180000  }
0x6b: {  	[bflag:$0x0] =	sbarrier.arrive $0xFFFF  }
0x6c: {  	p0 =	sne.s32 s2, $0x0;
	_ =	strace $0x9000004A  }
0x6d: {  	s0 =	sadd.s32 @!p0 $0x100000, s0;
	[bflag:$0x2] =	sbarrier.arrive $0xFFFF  }
0x6e: {  	[sflag:s0] =	ssyncadd.tile.s32 @!p0 $0x1;
	_ =	shalt  }
.Lfunc_end2:
_tile_overlayer_lowered:
.L_overlay_start_2:
0x6f: {  	(tag) =	ssettag $0x2  }
0x70: {  	s0 =	rddreg [dreg:$0x0];
	s2 =	stileid.u32  }
0x71: {  	s1 =	rddreg [dreg:$0x1];
	p0 =	sne.s32 s2, $0x0  }
0x72: {  	s3 =	rddreg [dreg:$0x2];
	[bflag:$0x3] =	sbarrier.arrive $0xFFFF;
	s2 =	simm.s32 @!p0 $0x1C03  }
0x73: {  	[timem:s3], [sflag:s2] =	dma.local @!p0 [hbm:s0], s1  }
0x74: {  	s0 =	simm.s32 @!p0 $0x3  }
0x75: {  	_ =	swait.ge @!p0 [sflag:s0], s1  }
0x76: {  	s1 =	ssub.s32 @!p0 $0x0, s1;
	[sflag:s0] =	ssyncset.done @!p0 $0x0  }
0x77: {  	[sflag:s0] =	ssyncadd.s32 @!p0 s1  }
0x78: {  	[bflag:$0x3] =	sbarrier.arrive $0xFFFF  }
0x79: {  	_ =	shalt  }

// kernel: kernel.14.cloned.1.call-start
scs
__scs_entry_jumppad:
0x0: {  	(pc) =	sbr.rel $0x88, $3  }
0x1: {  	(tag) =	ssettag $0x0;
	lr =	simm.s32 $0x1  }
0x2: {  	[smem:$0x3F9B] =	sst lr;
	_ =	strace $0xD0000000  }
0x3: {  	_ = 	snop  }
0x4: {  	_ = 	snop  }
0x5: {  	_ = 	snop  }
0x6: {  	_ = 	snop  }
0x7: {  	_ = 	snop  }
__scs_overlays_trampoline_lowered:
0x8: {  	[smem:$0x3FAA] =	sst s0  }
0x9: {  	[smem:$0x3FAB] =	sst s1  }
0xa: {  	[smem:$0x3FAC] =	sst s2  }
0xb: {  	[smem:$0x3FAD] =	sst s3  }
0xc: {  	[smem:$0x3FAE] =	sst s4  }
0xd: {  	[smem:$0x3FAF] =	sst s5  }
0xe: {  	[smem:$0x3FB0] =	sst s6  }
0xf: {  	[smem:$0x3FB1] =	sst s7  }
0x10: {  	[smem:$0x3FB2] =	sst s8  }
0x11: {  	[smem:$0x3FB3] =	sst s9;
	s0 =	simm.s32 @!p0 $0x0  }
0x12: {  	s1 =	sld [smem:$0x3F99];
	s0 =	simm.s32 @p0 $0x1  }
0x13: {  	[smem:$0x3FB4] =	sst s0;
	s0 =	simm.s32 @!p1 $0x0  }
0x14: {  	s2 =	sld [smem:$0x3F98];
	s0 =	simm.s32 @p1 $0x1  }
0x15: {  	[smem:$0x3FB5] =	sst s0;
	s0 =	simm.s32 @!p2 $0x0  }
0x16: {  	s3 =	sld [smem:$0x3FDB];
	s0 =	simm.s32 @p2 $0x1  }
0x17: {  	s4 =	simm.s32 $0x1BF5;
	[smem:$0x3FB7] =	sst s0  }
0x18: {  	s0 =	sld [smem:$0x3F9A];
	_ =	swait.ge [sflag:s4], $0x0  }
0x19: {  	s7 =	sld [smem:$0x3F9B]  }
0x1a: {  	s8 =	sadd.s32 $0xFFFFE003, lr  }
0x1b: {  	s9 =	sadd.s32 $0xFFFFFEF7, lr;
	s5 =	simm.s32 $0xFFFFFFFF;
	p2 =	slt.u32 s8, $0xFFFFF086  }
0x1c: {  	p1 =	slt.u32 s9, $0xF7A;
	s5 =	simm.s32 @!p2 $0x0  }
0x1d: {  	s5 =	simm.s32 @p1 $0x1;
	p0 =	seq.s32 s7, s2  }
0x1e: {  	s7 =	smul.u32 @!p0 $0xF7A, s2;
	p2 =	seq.s32 @!p0 s5, $0x0  }
0x1f: {  	s9 =	smul.u32 $0xF7A, s1;
	s8 =	simm.s32 @!p0 $0x1BF5;
	p2 =	por !p2, p0  }
0x20: {  	[sflag:s8] =	ssyncset.s32 @!p0 $0xFFFFF086;
	s6 =	sadd.s32 @!p0 s3, s7;
	s7 =	simm.s32 @!p0 $0x108  }
0x21: {  	s3 =	sadd.s32 s3, s9;
	s6 =	sadd.s32 @!p0 $0x88, s6;
	s7 =	simm.s32 @p2 $0x1082  }
0x22: {  	[simem:s7], [sflag:s8] =	dma.local @!p0 [hbm:s6], $0xF7A  }
0x23: {  	s9 =	sor.u32 $0xD0000000, s2;
	s6 =	simm.s32 $0x108;
	_ =	swait.ge @!p0 [sflag:s8], $0x0  }
0x24: {  	s3 =	sadd.s32 $0x88, s3;
	s6 =	simm.s32 @!p1 $0x1082;
	[sflag:s4] =	ssyncset.s32 $0xFFFFF086  }
0x25: {  	[simem:s6], [sflag:s4] =	dma.local [hbm:s3], $0xF7A  }
0x26: {  	[smem:$0x3F9B] =	sst s1;
	(tag) =	ssettag s2;
	_ =	strace s9  }
0x27: {  	s1 =	sld [smem:$0x3FAB]  }
0x28: {  	s2 =	sld [smem:$0x3FAC]  }
0x29: {  	s4 =	sld [smem:$0x3FAE]  }
0x2a: {  	p0 =	seq.s32 s5, $0x0;
	s5 =	sld [smem:$0x3FAF]  }
0x2b: {  	s6 =	sld [smem:$0x3FB0]  }
0x2c: {  	s7 =	sld [smem:$0x3FB1]  }
0x2d: {  	s3 =	simm.s32 $0x108;
	s8 =	sld [smem:$0x3FB2]  }
0x2e: {  	s3 =	simm.s32 @!p0 $0x1082;
	s9 =	sld [smem:$0x3FB3]  }
0x2f: {  	lr =	sadd.s32 s0, s3;
	s0 =	sld [smem:$0x3FAA]  }
0x30: {  	s3 =	sld [smem:$0x3FAD]  }
0x31: {  	[smem:$0x3FB6] =	sst s10  }
0x32: {  	s10 =	sld [smem:$0x3FB4];
	_ =	sdelay $0x3  }
0x33: {  	p0 =	seq.s32 s10, $0x1;
	s10 =	sld [smem:$0x3FB6];
	_ =	sdelay $0x3  }
0x34: {  	[smem:$0x3FB6] =	sst s10  }
0x35: {  	s10 =	sld [smem:$0x3FB5];
	_ =	sdelay $0x3  }
0x36: {  	p1 =	seq.s32 s10, $0x1;
	s10 =	sld [smem:$0x3FB6];
	_ =	sdelay $0x3  }
0x37: {  	[smem:$0x3FB6] =	sst s10  }
0x38: {  	s10 =	sld [smem:$0x3FB7]  }
0x39: {  	_ = 	snop;
	(pc) =	sbr.ind lr, $3  }
0x3a: {  	_ = 	snop  }
0x3b: {  	_ = 	snop  }
0x3c: {  	p2 =	seq.s32 s10, $0x1;
	s10 =	sld [smem:$0x3FB6]  }
0x3d: {  	_ =	shalt  }
0x3e: {  	_ =	shalt  }
0x3f: {  	_ =	shalt  }
0x40: {  	_ =	shalt  }
0x41: {  	_ =	shalt  }
0x42: {  	_ =	shalt  }
0x43: {  	_ =	shalt  }
0x44: {  	_ =	shalt  }
0x45: {  	_ =	shalt  }
0x46: {  	_ =	shalt  }
0x47: {  	_ =	shalt  }
0x48: {  	_ =	shalt  }
0x49: {  	_ =	shalt  }
0x4a: {  	_ =	shalt  }
0x4b: {  	_ =	shalt  }
0x4c: {  	_ =	shalt  }
0x4d: {  	_ =	shalt  }
0x4e: {  	_ =	shalt  }
0x4f: {  	_ =	shalt  }
0x50: {  	_ =	shalt  }
0x51: {  	_ =	shalt  }
0x52: {  	_ =	shalt  }
0x53: {  	_ =	shalt  }
0x54: {  	_ =	shalt  }
0x55: {  	_ =	shalt  }
0x56: {  	_ =	shalt  }
0x57: {  	_ =	shalt  }
0x58: {  	_ =	shalt  }
0x59: {  	_ =	shalt  }
0x5a: {  	_ =	shalt  }
0x5b: {  	_ =	shalt  }
0x5c: {  	_ =	shalt  }
0x5d: {  	_ =	shalt  }
0x5e: {  	_ =	shalt  }
0x5f: {  	_ =	shalt  }
0x60: {  	_ =	shalt  }
0x61: {  	_ =	shalt  }
0x62: {  	_ =	shalt  }
0x63: {  	_ =	shalt  }
0x64: {  	_ =	shalt  }
0x65: {  	_ =	shalt  }
0x66: {  	_ =	shalt  }
0x67: {  	_ =	shalt  }
0x68: {  	_ =	shalt  }
0x69: {  	_ =	shalt  }
0x6a: {  	_ =	shalt  }
0x6b: {  	_ =	shalt  }
0x6c: {  	_ =	shalt  }
0x6d: {  	_ =	shalt  }
0x6e: {  	_ =	shalt  }
0x6f: {  	_ =	shalt  }
0x70: {  	_ =	shalt  }
0x71: {  	_ =	shalt  }
0x72: {  	_ =	shalt  }
0x73: {  	_ =	shalt  }
0x74: {  	_ =	shalt  }
0x75: {  	_ =	shalt  }
0x76: {  	_ =	shalt  }
0x77: {  	_ =	shalt  }
0x78: {  	_ =	shalt  }
0x79: {  	_ =	shalt  }
0x7a: {  	_ =	shalt  }
0x7b: {  	_ =	shalt  }
0x7c: {  	_ =	shalt  }
0x7d: {  	_ =	shalt  }
0x7e: {  	_ =	shalt  }
0x7f: {  	_ =	shalt  }
0x80: {  	_ =	shalt  }
0x81: {  	_ =	shalt  }
0x82: {  	_ =	shalt  }
0x83: {  	_ =	shalt  }
0x84: {  	_ =	shalt  }
0x85: {  	_ =	shalt  }
0x86: {  	_ =	shalt  }
0x87: {  	_ =	shalt  }
.Lfunc_end0:
.L_simem_size_0:
called_computation.2_lowered:
.L_overlay_start_0:
0x88: {  	s2 =	sld [smem:$0x3FD9]  }
0x89: {  	s3 =	sld [smem:$0x3FFE];
	_ =	sdelay $0x1  }
0x8a: {  	s1 =	srdreg.scid  }
0x8b: {  	s0 =	sand.u32 $0x1, s1  }
0x8c: {  	s17 =	sshll.u32 s0, $0xA;
	s2 =	sadd.s32 s3, s2  }
0x8d: {  	s2 =	sadd.s32 s2, s17  }
0x8e: {  	[smem:$0x3FC2] =	sst s2  }
0x8f: {  	_ = 	snop  }
0x90: {  	s2 =	sld [smem:$0x3FD0];
	(tm) =	ssettm $0x1  }
0x91: {  	s18 =	sld [smem:$0x3FFB];
	_ =	sdelay $0x3  }
0x92: {  	_ =	strace s18  }
0x93: {  	s3 =	sld [smem:$0x3FFC];
	_ =	sdelay $0x3  }
0x94: {  	_ =	strace s3  }
0x95: {  	s3 =	sld [smem:$0x3FFD];
	_ =	sdelay $0x3  }
0x96: {  	_ =	strace s3  }
0x97: {  	_ =	strace $0x8FFFFFFF  }
0x98: {  	s19 =	sld [smem:$0x3FDB];
	_ =	sdelay $0x1  }
0x99: {  	s4 =	simm.s32 $_scs_section_size  }
0x9a: {  	s5 =	simm.s32 $_size__tile_overlayer_lowered;
	s6 =	simm.s32 $_tile_overlayer_lowered  }
0x9b: {  	s22 =	simm.s32 $0x1BFF;
	s21 =	sshll.u32 s6, $0x1;
	s3 =	sadd.s32 s4, s19  }
0x9c: {  	s7 =	simm.s32 $0x0;
	s20 =	sshll.u32 s5, $0x1;
	s5 =	sadd.s32 s21, s3  }
0x9d: {  	[timem:s7], [sflag:s22] =	dma.local [hbm:s5], s20  }
0x9e: {  	_ =	swait.ge [sflag:s22], s20  }
0x9f: {  	s4 =	ssub.s32 $0x0, s20;
	[sflag:s22] =	ssyncset.done $0x0  }
0xa0: {  	[sflag:s22] =	ssyncadd.s32 s4;
	_ =	sdelay $0x1  }
0xa1: {  	s23 =	simm.s32 $0x1B8B  }
0xa2: {  	_ =	swait.ge [sflag:s23], $0x1  }
0xa3: {  	[sflag:s23] =	ssyncset.done $0x0  }
0xa4: {  	s25 =	simm.s32 $0x1B8E;
	s24 =	sld [smem:$0x3FFE];
	[sflag:s23] =	ssyncadd.s32 $0xFFFFFFFF  }
0xa5: {  	s26 =	simm.s32 $execute0_lowered;
	[smem:$0x3FD2] =	sst s25  }
0xa6: {  	s5 =	sshll.u32 s26, $0x1;
	_ =	strace $0x8000004C;
	[dreg:$0x1] =	wrdreg $0xFFFFFFFF  }
0xa7: {  	s28 =	simm.s32 $_size_execute0_lowered;
	s3 =	sadd.s32 s3, s5;
	[dreg:$0x0] =	wrdreg $0x0  }
0xa8: {  	s5 =	sshll.u32 s28, $0x1;
	[dreg:$0x2] =	wrdreg s3  }
0xa9: {  	[dreg:$0x3] =	wrdreg s5  }
0xaa: {  	[dreg:$0x4] =	wrdreg $0xC0  }
0xab: {  	_ =	task [dreg:s7], $0x5FFFF  }
0xac: {  	[dreg:$0x1] =	wrdreg $0xFFFFFFFF  }
0xad: {  	[dreg:$0x0] =	wrdreg $0x60  }
0xae: {  	[dreg:$0x2] =	wrdreg s24  }
0xaf: {  	[dreg:$0x3] =	wrdreg s2  }
0xb0: {  	[dreg:$0x4] =	wrdreg $0x0  }
0xb1: {  	[dreg:$0x5] =	wrdreg $0x9  }
0xb2: {  	_ =	task.clear_ibuf [dreg:s7], $0x6FFFF;
	_ =	strace $0x9000004C  }
0xb3: {  	s29 =	simm.s32 $0x9;
	_ =	strace $0x8000004E  }
0xb4: {  	_ =	swait.ge [sflag:s29], $0x1  }
0xb5: {  	[sflag:s29] =	ssyncadd.s32 $0xFFFFFFFF  }
0xb6: {  	_ =	strace $0x9000004E  }
0xb7: {  	_ =	sfence  }
0xb8: {  	s30 =	sld [smem:$0x0];
	_ =	sdelay $0x2  }
0xb9: {  	s31 =	sshll.u32 s1, $0xD;
	s1 =	sshrl.u32 s1, $0x2  }
0xba: {  	s3 =	sand.u32 $0x4000, s31;
	s1 =	sadd.s32 s1, s30  }
0xbb: {  	s0 =	sor.u32 s3, s0;
	s1 =	sshll.u32 s1, $0x11  }
0xbc: {  	s0 =	sor.u32 s1, s0  }
0xbd: {  	s0 =	sadd.s32 $0x8F2B, s0  }
0xbe: {  	[sflag:s0] =	ssyncadd.remote.s32 $0x1  }
0xbf: {  	_ =	sfence.sel $0xFFFF  }
0xc0: {  	[dreg:$0x0] =	wrdreg $0xFFFFFFFF;
	(pc) =	sbr.abs _section_cstart, $3  }
0xc1: {  	[dreg:$0x1] =	wrdreg $0xFFFFFFFF  }
0xc2: {  	_ =	task.clear_ibuf [dreg:s7], $0x2FFFF;
	_ =	strace $0x9FFFFFFF  }
0xc3: {  	(tm) =	ssettm $0x7FFFFFFF  }
tec
execute0_lowered:
.L_overlay_start_1:
0x0: {  	(tag) =	ssettag $0x1  }
0x1: {  	s6 =	rddreg [dreg:$0x0]  }
0x2: {  	s0 =	rddreg [dreg:$0x1]  }
0x3: {  	s1 =	rddreg [dreg:$0x2];
	s2 =	srdreg.scid  }
0x4: {  	s3 =	simm.s32 $0x0;
	s13 =	simm.s32 $0x40;
	s14 =	simm.s32 $0x16400  }
0x5: {  	s15 =	simm.s32 $0x18400;
	s17 =	simm.s32 $0x80;
	[dreg:$0x5] =	wrdreg s0  }
0x6: {  	s0 =	rddreg [dreg:$0x3];
	s7 =	sand.u32 $0x1, s2;
	s2 =	stileid.u32  }
0x7: {  	s16 =	simm.s32 $0x2;
	[smem:$0x7FF] =	sst s3;
	s5 =	smul.u32 $0x13C000, s7  }
0x8: {  	s4 =	sadd.s32 $0x5E000, s6;
	s9 =	sadd.s32 $0x3400, s6;
	s8 =	smul.u32 $0x13C00, s2  }
0x9: {  	_ =	strace $0x8000004D;
	[dreg:$0x4] =	wrdreg s9;
	s29 =	smul.u32 $0x4F000, s2  }
0xa: {  	s30 =	ssub.s32 $0x2, s7;
	s11 =	smul.u32 $0x28, s2;
	s31 =	sshll.u32 s2, $0x6  }
0xb: {  	p0 =	seq.s32 s7, $0x0;
	s7 =	simm.s32 $0x78;
	[dreg:$0x6] =	wrdreg s15  }
0xc: {  	s15 =	simm.s32 $0x1;
	[dreg:$0x7] =	wrdreg s17;
	s17 =	simm.s32 $0x0  }
0xd: {  	s10 =	sshrl.u32 s30, $0x1;
	s7 =	simm.s32 @!p0 $0x28;
	s5 =	sadd.s32 s8, s5  }
0xe: {  	s9 =	sshrl.u32 s29, $0x2;
	s10 =	ssub.s32 s30, s10;
	s11 =	sadd.s32 $0x780, s11  }
0xf: {  	s8 =	sshrl.u32 s5, $0x3;
	s12 =	sadd.s32 s9, s1;
	s9 =	smul.u32 $0x78, s2  }
0x10: {  	s5 =	sadd.s32 $0xD400, s6;
	s8 =	sadd.s32 s8, s6;
	s6 =	sor.u32 $0x1C03, s31  }
0x11: {  	s11 =	smov.u32 @p0 s9;
	s8 =	sadd.s32 $0x85200, s8;
	s9 =	smax.u32 s10, $0x1  }
0x12: {  	s10 =	sshll.u32 s11, $0x4;
	s11 =	sshrl.u32 s12, $0x3;
	s12 =	simm.s32 $0x3  }
.LBB2_1:
0x13: {  	[spmem:s11], [sflag:s6] =	dma.local [hbm:s5], $0x2780  }
0x14: {  	s21 =	sadd.s32 $0xFFFFFFFF, s7  }
0x15: {  	s18 =	smulhi.u32 $0xCCCCCCCD, s3;
	p1 =	sne.s32 s21, $0x0  }
.Ltmp0:
0x16: {  	_ =	swait.ge [sflag:s12], $0x2780;
	(pc) =	sbr.rel @!p1 .LBB2_2-.Ltmp0, $4  }
0x17: {  	[sflag:s12] =	ssyncset.done $0x0;
	s20 =	sshrl.u32 s18, $0x5  }
0x18: {  	[sflag:s12] =	ssyncadd.s32 $0xFFFFD880;
	s22 =	smul.u32 $0x28, s20  }
0x19: {  	s19 =	simm.s32 $0x13C00;
	p0 =	por $0x0, $0x0;
	[bflag:$0x0] =	sbarrier.arrive $0xFFFF  }
0x1a: {  	s18 =	simm.s32 $0x15000;
	s24 =	smul.u32 $0xFFFFB000, s20;
	s25 =	sadd.s32 $0x0, s22  }
0x1b: {  	p0 =	sne.s32 s25, $0x0  }
0x1c: {  	s18 =	rddreg [dreg:$0x4];
	s19 =	sand.u32 @!p0 $0xFFFFF80, s10;
	s20 =	simm.s32 @!p0 $0x3  }
0x1d: {  	s22 =	simm.s32 @!p0 $0x0;
	s23 =	simm.s32 @!p0 $0x13C00;
	s18 =	sadd.s32 @!p0 s18, s19  }
0x1e: {  	[tilespmem:s23], [sflag:$0x3] =	stream.linear.gather @!p0 [hbm4b:s18+s22], $0x1400, $0x38;
	[tilespmem:$0x1A400] =	vst v63  }
0x1f: {  	_ =	swait.ge @!p0 [sflag:s20], $0x1400  }
0x20: {  	s18 =	rddreg [dreg:$0x5];
	[sflag:s20] =	ssyncset.done @!p0 $0x0  }
0x21: {  	[sflag:s20] =	ssyncadd.s32 @!p0 $0xFFFFEC00;
	s18 =	sadd.s32 @!p0 s18, s19;
	s19 =	simm.s32 @!p0 $0x15000  }
0x22: {  	[tilespmem:s19], [sflag:$0x3] =	stream.linear.gather @!p0 [hbm4b:s18+s22], $0x1400, $0x38;
	[tilespmem:$0x1A400] =	vst v63  }
0x23: {  	_ =	swait.ge @!p0 [sflag:s20], $0x1400  }
0x24: {  	s25 =	sshra.s32 s24, $0x2;
	[sflag:s20] =	ssyncset.done @!p0 $0x0  }
0x25: {  	s21 =	sadd.s32 $0xFFFFFFFF, s21;
	s26 =	sadd.s32 $0x13C00, s25;
	[sflag:s20] =	ssyncadd.s32 @!p0 $0xFFFFEC00  }
0x26: {  	[tilespmem:s14], [sflag:$0x1] =	stream.indirect.gather [hbm4b:s4+s13], $0x80, s26, s13, $0xb8;
	[tilespmem:$0x1A400] =	vst v63  }
0x27: {  	p1 =	sne.s32 s21, $0x0;
	s18 =	sadd.s32 $0x40, s26;
	s28 =	rddreg [dreg:$0x6]  }
0x28: {  	[tilespmem:s28], [sflag:$0x2] =	stream.indirect.gather [hbm4b:s4+s13], $0x80, s18, s13, $0xb8;
	[tilespmem:$0x1A400] =	vst v63  }
0x29: {  	s23 =	simm.s32 $0xFFFFFFFF;
	s20 =	simm.s32 $0x1;
	_ =	swait.ge [sflag:s15], $0x2000  }
0x2a: {  	s19 =	simm.s32 $0x13C80;
	s29 =	smulhi.u32 $0xCCCCCCCD, s20;
	[sflag:s15] =	ssyncset.done $0x0  }
0x2b: {  	s22 =	sadd.s32 $0x15000, s25;
	p0 =	por $0x1, $0x1;
	[sflag:s15] =	ssyncadd.s32 $0xFFFFE000  }
.Ltmp1:
0x2c: {  	s26 =	sshrl.u32 s29, $0x5;
	_ =	swait.ge [sflag:s16], $0x2000;
	(pc) =	sbr.rel @!p1 .LBB2_5-.Ltmp1, $4  }
0x2d: {  	s18 =	simm.s32 $0x15080;
	s31 =	smul.u32 $0x28, s26;
	[sflag:s16] =	ssyncset.done $0x0  }
0x2e: {  	s24 =	smul.u32 $0xFFFFB000, s26;
	s30 =	rddreg [dreg:$0x7];
	[sflag:s16] =	ssyncadd.s32 $0xFFFFE000  }
0x2f: {  	[spmem:s1] =	stream.indirect.scatter.add.f32 [tilespmem:s14], [sflag:$0x3], $0x80, s22, s30, $0xb8;
	[tilespmem:$0x1A400] =	vst v63  }
0x30: {  	s25 =	sadd.s32 $0xFFFFFFFF, s31;
	s22 =	sadd.s32 $0x10, s10;
	_ =	swait.ge [sflag:s12], $0x4000  }
.LBB2_4:
0x31: {  	p2 =	sne.s32 s25, $0x0;
	s25 =	rddreg [dreg:$0x4];
	[sflag:s12] =	ssyncset.done $0x0  }
0x32: {  	s26 =	sand.u32 @!p2 $0xFFFFF80, s22;
	[sflag:s12] =	ssyncadd.s32 $0xFFFFC000;
	s28 =	simm.s32 @!p2 $0x3  }
0x33: {  	s30 =	simm.s32 @!p2 $0x0;
	s31 =	simm.s32 @!p2 $0x13C00;
	s25 =	sadd.s32 @!p2 s25, s26  }
0x34: {  	[tilespmem:s31], [sflag:$0x3] =	stream.linear.gather @!p2 [hbm4b:s25+s30], $0x1400, $0x38;
	[tilespmem:$0x1A400] =	vst v63  }
0x35: {  	_ =	swait.ge @!p2 [sflag:s28], $0x1400  }
0x36: {  	[sflag:s28] =	ssyncset.done @!p2 $0x0;
	s25 =	rddreg [dreg:$0x5]  }
0x37: {  	[sflag:s28] =	ssyncadd.s32 @!p2 $0xFFFFEC00;
	s25 =	sadd.s32 @!p2 s25, s26;
	s26 =	simm.s32 @!p2 $0x15000  }
0x38: {  	[tilespmem:s26], [sflag:$0x3] =	stream.linear.gather @!p2 [hbm4b:s25+s30], $0x1400, $0x38;
	[tilespmem:$0x1A400] =	vst v63  }
0x39: {  	_ =	swait.ge @!p2 [sflag:s28], $0x1400  }
0x3a: {  	s24 =	sshra.s32 s24, $0x2;
	[sflag:s28] =	ssyncset.done @!p2 $0x0  }
0x3b: {  	s21 =	sadd.s32 $0xFFFFFFFF, s21;
	s30 =	sadd.s32 s24, s19;
	[sflag:s28] =	ssyncadd.s32 @!p2 $0xFFFFEC00  }
0x3c: {  	[tilespmem:s14], [sflag:$0x1] =	stream.indirect.gather [hbm4b:s4+s13], $0x80, s30, s13, $0xb8;
	[tilespmem:$0x1A400] =	vst v63  }
0x3d: {  	s29 =	smov.u32 s18;
	s25 =	sadd.s32 $0x40, s30;
	s31 =	rddreg [dreg:$0x6]  }
0x3e: {  	[tilespmem:s31], [sflag:$0x2] =	stream.indirect.gather [hbm4b:s4+s13], $0x80, s25, s13, $0xb8;
	[tilespmem:$0x1A400] =	vst v63  }
0x3f: {  	s20 =	sadd.s32 $0x1, s20;
	s18 =	sadd.s32 $0x80, s18;
	_ =	swait.ge [sflag:s15], $0x2000  }
0x40: {  	s23 =	sadd.s32 $0xFFFFFFFF, s23;
	p1 =	sne.s32 s21, $0x0;
	[sflag:s15] =	ssyncset.done $0x0  }
0x41: {  	s22 =	sadd.s32 $0x10, s22;
	s28 =	smulhi.u32 $0xCCCCCCCD, s20;
	[sflag:s15] =	ssyncadd.s32 $0xFFFFE000  }
.Ltmp2:
0x42: {  	s19 =	sadd.s32 $0x80, s19;
	_ =	swait.ge [sflag:s16], $0x2000;
	(pc) =	sbr.rel @p1 .LBB2_4-.Ltmp2, $4  }
0x43: {  	s24 =	sadd.s32 s24, s29;
	s31 =	sshrl.u32 s28, $0x5;
	[sflag:s16] =	ssyncset.done $0x0  }
0x44: {  	s25 =	smul.u32 $0x28, s31;
	s30 =	rddreg [dreg:$0x7];
	[sflag:s16] =	ssyncadd.s32 $0xFFFFE000  }
0x45: {  	[spmem:s1] =	stream.indirect.scatter.add.f32 [tilespmem:s14], [sflag:$0x3], $0x80, s24, s30, $0xb8;
	[tilespmem:$0x1A400] =	vst v63  }
0x46: {  	s25 =	sadd.s32 s25, s23;
	s24 =	smul.u32 $0xFFFFB000, s31;
	_ =	swait.ge [sflag:s12], $0x4000  }
.LBB2_5:
0x47: {  	s20 =	rddreg [dreg:$0x4];
	p1 =	sne.s32 s25, $0x0;
	[sflag:s12] =	ssyncset.done @p0 $0x0  }
0x48: {  	s21 =	sand.u32 @!p1 $0xFFFFF80, s22;
	[sflag:s12] =	ssyncadd.s32 @p0 $0xFFFFC000;
	s22 =	simm.s32 @!p1 $0x3  }
0x49: {  	s23 =	simm.s32 @!p1 $0x0;
	s25 =	simm.s32 @!p1 $0x13C00;
	s20 =	sadd.s32 @!p1 s20, s21  }
0x4a: {  	[tilespmem:s25], [sflag:$0x3] =	stream.linear.gather @!p1 [hbm4b:s20+s23], $0x1400, $0x38;
	[tilespmem:$0x1A400] =	vst v63  }
0x4b: {  	_ =	swait.ge @!p1 [sflag:s22], $0x1400  }
0x4c: {  	s20 =	rddreg [dreg:$0x5];
	[sflag:s22] =	ssyncset.done @!p1 $0x0  }
0x4d: {  	[sflag:s22] =	ssyncadd.s32 @!p1 $0xFFFFEC00;
	s20 =	sadd.s32 @!p1 s20, s21;
	s21 =	simm.s32 @!p1 $0x15000  }
0x4e: {  	[tilespmem:s21], [sflag:$0x3] =	stream.linear.gather @!p1 [hbm4b:s20+s23], $0x1400, $0x38;
	[tilespmem:$0x1A400] =	vst v63  }
0x4f: {  	_ =	swait.ge @!p1 [sflag:s22], $0x1400  }
0x50: {  	s29 =	sshra.s32 s24, $0x2;
	[sflag:s22] =	ssyncset.done @!p1 $0x0  }
0x51: {  	s19 =	sadd.s32 s29, s19;
	[sflag:s22] =	ssyncadd.s32 @!p1 $0xFFFFEC00  }
0x52: {  	[tilespmem:s14], [sflag:$0x1] =	stream.indirect.gather [hbm4b:s4+s13], $0x80, s19, s13, $0xb8;
	[tilespmem:$0x1A400] =	vst v63  }
0x53: {  	s30 =	rddreg [dreg:$0x6];
	s19 =	sadd.s32 $0x40, s19  }
0x54: {  	[tilespmem:s30], [sflag:$0x2] =	stream.indirect.gather [hbm4b:s4+s13], $0x80, s19, s13, $0xb8;
	[tilespmem:$0x1A400] =	vst v63  }
0x55: {  	_ =	swait.ge [sflag:s15], $0x2000  }
0x56: {  	[sflag:s15] =	ssyncset.done $0x0  }
0x57: {  	[sflag:s15] =	ssyncadd.s32 $0xFFFFE000  }
0x58: {  	_ =	swait.ge [sflag:s16], $0x2000  }
0x59: {  	[sflag:s16] =	ssyncset.done $0x0  }
0x5a: {  	s18 =	sadd.s32 s29, s18;
	s31 =	rddreg [dreg:$0x7];
	[sflag:s16] =	ssyncadd.s32 $0xFFFFE000  }
0x5b: {  	[spmem:s1] =	stream.indirect.scatter.add.f32 [tilespmem:s14], [sflag:$0x3], $0x80, s18, s31, $0xb8;
	[tilespmem:$0x1A400] =	vst v63  }
0x5c: {  	_ =	swait.ge [sflag:s12], $0x4000  }
0x5d: {  	[sflag:s12] =	ssyncset.done $0x0  }
0x5e: {  	s17 =	sadd.s32 $0x1, s17;
	[sflag:s12] =	ssyncadd.s32 $0xFFFFC000  }
0x5f: {  	p0 =	sne.s32 s17, s9;
	[bflag:$0x0] =	sbarrier.arrive $0xFFFF  }
0x60: {  	[hbm:s8], [sflag:s6] =	dma.local [spmem:s11], $0x2780  }
.Ltmp3:
0x61: {  	_ = 	snop;
	(pc) =	sbr.rel @p0 .LBB2_1-.Ltmp3, $4  }
.Ltmp4:
0x62: {  	_ = 	snop;
	(pc) =	sbr.rel @!p0 .LBB2_6-.Ltmp4, $4  }
0x63: {  	_ =	swait.ge [sflag:s12], $0x2780  }
0x64: {  	[sflag:s12] =	ssyncset.done $0x0  }
0x65: {  	[sflag:s12] =	ssyncadd.s32 $0xFFFFD880  }
0x66: {  	_ = 	snop  }
.LBB2_2:
.Ltmp5:
0x67: {  	(pc) =	sbr.rel .LBB2_5-.Ltmp5, $2  }
0x68: {  	_ =	sdelay $0x2  }
0x69: {  	s22 =	smov.u32 s10  }
.LBB2_6:
0x6a: {  	_ =	sfence.sel $0x180000  }
0x6b: {  	[bflag:$0x0] =	sbarrier.arrive $0xFFFF  }
0x6c: {  	p0 =	sne.s32 s2, $0x0;
	_ =	strace $0x9000004D  }
0x6d: {  	s0 =	sadd.s32 @!p0 $0x100000, s0;
	[bflag:$0x2] =	sbarrier.arrive $0xFFFF  }
0x6e: {  	[sflag:s0] =	ssyncadd.tile.s32 @!p0 $0x1;
	_ =	shalt  }
.Lfunc_end2:
_tile_overlayer_lowered:
.L_overlay_start_2:
0x6f: {  	(tag) =	ssettag $0x2  }
0x70: {  	s0 =	rddreg [dreg:$0x0];
	s2 =	stileid.u32  }
0x71: {  	s1 =	rddreg [dreg:$0x1];
	p0 =	sne.s32 s2, $0x0  }
0x72: {  	s3 =	rddreg [dreg:$0x2];
	[bflag:$0x3] =	sbarrier.arrive $0xFFFF;
	s2 =	simm.s32 @!p0 $0x1C03  }
0x73: {  	[timem:s3], [sflag:s2] =	dma.local @!p0 [hbm:s0], s1  }
0x74: {  	s0 =	simm.s32 @!p0 $0x3  }
0x75: {  	_ =	swait.ge @!p0 [sflag:s0], s1  }
0x76: {  	s1 =	ssub.s32 @!p0 $0x0, s1;
	[sflag:s0] =	ssyncset.done @!p0 $0x0  }
0x77: {  	[sflag:s0] =	ssyncadd.s32 @!p0 s1  }
0x78: {  	[bflag:$0x3] =	sbarrier.arrive $0xFFFF  }
0x79: {  	_ =	shalt  }

// kernel: kernel.8.cloned.1.call-start
scs
__scs_entry_jumppad:
0x0: {  	(pc) =	sbr.rel $0x88, $3  }
0x1: {  	(tag) =	ssettag $0x0;
	lr =	simm.s32 $0x1  }
0x2: {  	[smem:$0x3F9B] =	sst lr;
	_ =	strace $0xD0000000  }
0x3: {  	_ = 	snop  }
0x4: {  	_ = 	snop  }
0x5: {  	_ = 	snop  }
0x6: {  	_ = 	snop  }
0x7: {  	_ = 	snop  }
__scs_overlays_trampoline_lowered:
0x8: {  	[smem:$0x3FAA] =	sst s0  }
0x9: {  	[smem:$0x3FAB] =	sst s1  }
0xa: {  	[smem:$0x3FAC] =	sst s2  }
0xb: {  	[smem:$0x3FAD] =	sst s3  }
0xc: {  	[smem:$0x3FAE] =	sst s4  }
0xd: {  	[smem:$0x3FAF] =	sst s5  }
0xe: {  	[smem:$0x3FB0] =	sst s6  }
0xf: {  	[smem:$0x3FB1] =	sst s7  }
0x10: {  	[smem:$0x3FB2] =	sst s8  }
0x11: {  	[smem:$0x3FB3] =	sst s9;
	s0 =	simm.s32 @!p0 $0x0  }
0x12: {  	s1 =	sld [smem:$0x3F99];
	s0 =	simm.s32 @p0 $0x1  }
0x13: {  	[smem:$0x3FB4] =	sst s0;
	s0 =	simm.s32 @!p1 $0x0  }
0x14: {  	s2 =	sld [smem:$0x3F98];
	s0 =	simm.s32 @p1 $0x1  }
0x15: {  	[smem:$0x3FB5] =	sst s0;
	s0 =	simm.s32 @!p2 $0x0  }
0x16: {  	s3 =	sld [smem:$0x3FDB];
	s0 =	simm.s32 @p2 $0x1  }
0x17: {  	s4 =	simm.s32 $0x1BF5;
	[smem:$0x3FB7] =	sst s0  }
0x18: {  	s0 =	sld [smem:$0x3F9A];
	_ =	swait.ge [sflag:s4], $0x0  }
0x19: {  	s7 =	sld [smem:$0x3F9B]  }
0x1a: {  	s8 =	sadd.s32 $0xFFFFE003, lr  }
0x1b: {  	s9 =	sadd.s32 $0xFFFFFEF7, lr;
	s5 =	simm.s32 $0xFFFFFFFF;
	p2 =	slt.u32 s8, $0xFFFFF086  }
0x1c: {  	p1 =	slt.u32 s9, $0xF7A;
	s5 =	simm.s32 @!p2 $0x0  }
0x1d: {  	s5 =	simm.s32 @p1 $0x1;
	p0 =	seq.s32 s7, s2  }
0x1e: {  	s7 =	smul.u32 @!p0 $0xF7A, s2;
	p2 =	seq.s32 @!p0 s5, $0x0  }
0x1f: {  	s9 =	smul.u32 $0xF7A, s1;
	s8 =	simm.s32 @!p0 $0x1BF5;
	p2 =	por !p2, p0  }
0x20: {  	[sflag:s8] =	ssyncset.s32 @!p0 $0xFFFFF086;
	s6 =	sadd.s32 @!p0 s3, s7;
	s7 =	simm.s32 @!p0 $0x108  }
0x21: {  	s3 =	sadd.s32 s3, s9;
	s6 =	sadd.s32 @!p0 $0x88, s6;
	s7 =	simm.s32 @p2 $0x1082  }
0x22: {  	[simem:s7], [sflag:s8] =	dma.local @!p0 [hbm:s6], $0xF7A  }
0x23: {  	s9 =	sor.u32 $0xD0000000, s2;
	s6 =	simm.s32 $0x108;
	_ =	swait.ge @!p0 [sflag:s8], $0x0  }
0x24: {  	s3 =	sadd.s32 $0x88, s3;
	s6 =	simm.s32 @!p1 $0x1082;
	[sflag:s4] =	ssyncset.s32 $0xFFFFF086  }
0x25: {  	[simem:s6], [sflag:s4] =	dma.local [hbm:s3], $0xF7A  }
0x26: {  	[smem:$0x3F9B] =	sst s1;
	(tag) =	ssettag s2;
	_ =	strace s9  }
0x27: {  	s1 =	sld [smem:$0x3FAB]  }
0x28: {  	s2 =	sld [smem:$0x3FAC]  }
0x29: {  	s4 =	sld [smem:$0x3FAE]  }
0x2a: {  	p0 =	seq.s32 s5, $0x0;
	s5 =	sld [smem:$0x3FAF]  }
0x2b: {  	s6 =	sld [smem:$0x3FB0]  }
0x2c: {  	s7 =	sld [smem:$0x3FB1]  }
0x2d: {  	s3 =	simm.s32 $0x108;
	s8 =	sld [smem:$0x3FB2]  }
0x2e: {  	s3 =	simm.s32 @!p0 $0x1082;
	s9 =	sld [smem:$0x3FB3]  }
0x2f: {  	lr =	sadd.s32 s0, s3;
	s0 =	sld [smem:$0x3FAA]  }
0x30: {  	s3 =	sld [smem:$0x3FAD]  }
0x31: {  	[smem:$0x3FB6] =	sst s10  }
0x32: {  	s10 =	sld [smem:$0x3FB4];
	_ =	sdelay $0x3  }
0x33: {  	p0 =	seq.s32 s10, $0x1;
	s10 =	sld [smem:$0x3FB6];
	_ =	sdelay $0x3  }
0x34: {  	[smem:$0x3FB6] =	sst s10  }
0x35: {  	s10 =	sld [smem:$0x3FB5];
	_ =	sdelay $0x3  }
0x36: {  	p1 =	seq.s32 s10, $0x1;
	s10 =	sld [smem:$0x3FB6];
	_ =	sdelay $0x3  }
0x37: {  	[smem:$0x3FB6] =	sst s10  }
0x38: {  	s10 =	sld [smem:$0x3FB7]  }
0x39: {  	_ = 	snop;
	(pc) =	sbr.ind lr, $3  }
0x3a: {  	_ = 	snop  }
0x3b: {  	_ = 	snop  }
0x3c: {  	p2 =	seq.s32 s10, $0x1;
	s10 =	sld [smem:$0x3FB6]  }
0x3d: {  	_ =	shalt  }
0x3e: {  	_ =	shalt  }
0x3f: {  	_ =	shalt  }
0x40: {  	_ =	shalt  }
0x41: {  	_ =	shalt  }
0x42: {  	_ =	shalt  }
0x43: {  	_ =	shalt  }
0x44: {  	_ =	shalt  }
0x45: {  	_ =	shalt  }
0x46: {  	_ =	shalt  }
0x47: {  	_ =	shalt  }
0x48: {  	_ =	shalt  }
0x49: {  	_ =	shalt  }
0x4a: {  	_ =	shalt  }
0x4b: {  	_ =	shalt  }
0x4c: {  	_ =	shalt  }
0x4d: {  	_ =	shalt  }
0x4e: {  	_ =	shalt  }
0x4f: {  	_ =	shalt  }
0x50: {  	_ =	shalt  }
0x51: {  	_ =	shalt  }
0x52: {  	_ =	shalt  }
0x53: {  	_ =	shalt  }
0x54: {  	_ =	shalt  }
0x55: {  	_ =	shalt  }
0x56: {  	_ =	shalt  }
0x57: {  	_ =	shalt  }
0x58: {  	_ =	shalt  }
0x59: {  	_ =	shalt  }
0x5a: {  	_ =	shalt  }
0x5b: {  	_ =	shalt  }
0x5c: {  	_ =	shalt  }
0x5d: {  	_ =	shalt  }
0x5e: {  	_ =	shalt  }
0x5f: {  	_ =	shalt  }
0x60: {  	_ =	shalt  }
0x61: {  	_ =	shalt  }
0x62: {  	_ =	shalt  }
0x63: {  	_ =	shalt  }
0x64: {  	_ =	shalt  }
0x65: {  	_ =	shalt  }
0x66: {  	_ =	shalt  }
0x67: {  	_ =	shalt  }
0x68: {  	_ =	shalt  }
0x69: {  	_ =	shalt  }
0x6a: {  	_ =	shalt  }
0x6b: {  	_ =	shalt  }
0x6c: {  	_ =	shalt  }
0x6d: {  	_ =	shalt  }
0x6e: {  	_ =	shalt  }
0x6f: {  	_ =	shalt  }
0x70: {  	_ =	shalt  }
0x71: {  	_ =	shalt  }
0x72: {  	_ =	shalt  }
0x73: {  	_ =	shalt  }
0x74: {  	_ =	shalt  }
0x75: {  	_ =	shalt  }
0x76: {  	_ =	shalt  }
0x77: {  	_ =	shalt  }
0x78: {  	_ =	shalt  }
0x79: {  	_ =	shalt  }
0x7a: {  	_ =	shalt  }
0x7b: {  	_ =	shalt  }
0x7c: {  	_ =	shalt  }
0x7d: {  	_ =	shalt  }
0x7e: {  	_ =	shalt  }
0x7f: {  	_ =	shalt  }
0x80: {  	_ =	shalt  }
0x81: {  	_ =	shalt  }
0x82: {  	_ =	shalt  }
0x83: {  	_ =	shalt  }
0x84: {  	_ =	shalt  }
0x85: {  	_ =	shalt  }
0x86: {  	_ =	shalt  }
0x87: {  	_ =	shalt  }
.Lfunc_end0:
.L_simem_size_0:
called_computation_lowered:
.L_overlay_start_0:
0x88: {  	s2 =	sld [smem:$0x3FD9]  }
0x89: {  	s3 =	sld [smem:$0x3FFE];
	_ =	sdelay $0x1  }
0x8a: {  	s1 =	srdreg.scid  }
0x8b: {  	s0 =	sand.u32 $0x1, s1  }
0x8c: {  	s17 =	sshll.u32 s0, $0xA;
	s2 =	sadd.s32 s3, s2  }
0x8d: {  	s2 =	sadd.s32 s2, s17  }
0x8e: {  	[smem:$0x3FC2] =	sst s2  }
0x8f: {  	_ = 	snop  }
0x90: {  	s2 =	sld [smem:$0x3FD0];
	(tm) =	ssettm $0x1  }
0x91: {  	s18 =	sld [smem:$0x3FFB];
	_ =	sdelay $0x3  }
0x92: {  	_ =	strace s18  }
0x93: {  	s3 =	sld [smem:$0x3FFC];
	_ =	sdelay $0x3  }
0x94: {  	_ =	strace s3  }
0x95: {  	s3 =	sld [smem:$0x3FFD];
	_ =	sdelay $0x3  }
0x96: {  	_ =	strace s3  }
0x97: {  	_ =	strace $0x8FFFFFFF  }
0x98: {  	s19 =	sld [smem:$0x3FDB];
	_ =	sdelay $0x1  }
0x99: {  	s4 =	simm.s32 $_scs_section_size  }
0x9a: {  	s5 =	simm.s32 $_size__tile_overlayer_lowered;
	s6 =	simm.s32 $_tile_overlayer_lowered  }
0x9b: {  	s22 =	simm.s32 $0x1BFF;
	s21 =	sshll.u32 s6, $0x1;
	s3 =	sadd.s32 s4, s19  }
0x9c: {  	s7 =	simm.s32 $0x0;
	s20 =	sshll.u32 s5, $0x1;
	s5 =	sadd.s32 s21, s3  }
0x9d: {  	[timem:s7], [sflag:s22] =	dma.local [hbm:s5], s20  }
0x9e: {  	_ =	swait.ge [sflag:s22], s20  }
0x9f: {  	s4 =	ssub.s32 $0x0, s20;
	[sflag:s22] =	ssyncset.done $0x0  }
0xa0: {  	[sflag:s22] =	ssyncadd.s32 s4;
	_ =	sdelay $0x1  }
0xa1: {  	s23 =	simm.s32 $0x1B8B  }
0xa2: {  	_ =	swait.ge [sflag:s23], $0x1  }
0xa3: {  	[sflag:s23] =	ssyncset.done $0x0  }
0xa4: {  	s25 =	simm.s32 $0x1B8E;
	s24 =	sld [smem:$0x3FFE];
	[sflag:s23] =	ssyncadd.s32 $0xFFFFFFFF  }
0xa5: {  	s26 =	simm.s32 $execute0_lowered;
	[smem:$0x3FD2] =	sst s25  }
0xa6: {  	s5 =	sshll.u32 s26, $0x1;
	_ =	strace $0x80000046;
	[dreg:$0x1] =	wrdreg $0xFFFFFFFF  }
0xa7: {  	s28 =	simm.s32 $_size_execute0_lowered;
	s3 =	sadd.s32 s3, s5;
	[dreg:$0x0] =	wrdreg $0x0  }
0xa8: {  	s5 =	sshll.u32 s28, $0x1;
	[dreg:$0x2] =	wrdreg s3  }
0xa9: {  	[dreg:$0x3] =	wrdreg s5  }
0xaa: {  	[dreg:$0x4] =	wrdreg $0xC0  }
0xab: {  	_ =	task [dreg:s7], $0x5FFFF  }
0xac: {  	[dreg:$0x1] =	wrdreg $0xFFFFFFFF  }
0xad: {  	[dreg:$0x0] =	wrdreg $0x60  }
0xae: {  	[dreg:$0x2] =	wrdreg s24  }
0xaf: {  	[dreg:$0x3] =	wrdreg s2  }
0xb0: {  	[dreg:$0x4] =	wrdreg $0x0  }
0xb1: {  	[dreg:$0x5] =	wrdreg $0x9  }
0xb2: {  	_ =	task.clear_ibuf [dreg:s7], $0x6FFFF;
	_ =	strace $0x90000046  }
0xb3: {  	s29 =	simm.s32 $0x9;
	_ =	strace $0x80000048  }
0xb4: {  	_ =	swait.ge [sflag:s29], $0x1  }
0xb5: {  	[sflag:s29] =	ssyncadd.s32 $0xFFFFFFFF  }
0xb6: {  	_ =	strace $0x90000048  }
0xb7: {  	_ =	sfence  }
0xb8: {  	s30 =	sld [smem:$0x0];
	_ =	sdelay $0x2  }
0xb9: {  	s31 =	sshll.u32 s1, $0xD;
	s1 =	sshrl.u32 s1, $0x2  }
0xba: {  	s3 =	sand.u32 $0x4000, s31;
	s1 =	sadd.s32 s1, s30  }
0xbb: {  	s0 =	sor.u32 s3, s0;
	s1 =	sshll.u32 s1, $0x11  }
0xbc: {  	s0 =	sor.u32 s1, s0  }
0xbd: {  	s0 =	sadd.s32 $0x8F2B, s0  }
0xbe: {  	[sflag:s0] =	ssyncadd.remote.s32 $0x1  }
0xbf: {  	_ =	sfence.sel $0xFFFF  }
0xc0: {  	[dreg:$0x0] =	wrdreg $0xFFFFFFFF;
	(pc) =	sbr.abs _section_cstart, $3  }
0xc1: {  	[dreg:$0x1] =	wrdreg $0xFFFFFFFF  }
0xc2: {  	_ =	task.clear_ibuf [dreg:s7], $0x2FFFF;
	_ =	strace $0x9FFFFFFF  }
0xc3: {  	(tm) =	ssettm $0x7FFFFFFF  }
tec
execute0_lowered:
.L_overlay_start_1:
0x0: {  	(tag) =	ssettag $0x1  }
0x1: {  	s8 =	rddreg [dreg:$0x0]  }
0x2: {  	s2 =	rddreg [dreg:$0x1];
	s0 =	srdreg.scid  }
0x3: {  	s3 =	rddreg [dreg:$0x2];
	s1 =	stileid.u32  }
0x4: {  	s4 =	simm.s32 $0x0;
	s15 =	simm.s32 $0x80;
	s7 =	smul.u32 $0x13C00, s1  }
0x5: {  	s9 =	sand.u32 $0x1, s0;
	s0 =	rddreg [dreg:$0x3];
	s11 =	smul.u32 $0x4F000, s1  }
0x6: {  	s16 =	simm.s32 $0x0;
	[smem:$0x7FF] =	sst s4;
	s13 =	smul.u32 $0x50, s1  }
0x7: {  	s5 =	sadd.s32 $0xFC00, s8;
	s31 =	sshll.u32 s1, $0x6;
	s6 =	smul.u32 $0x13C000, s9  }
0x8: {  	_ =	strace $0x80000047;
	s30 =	ssub.s32 $0x2, s9;
	p0 =	seq.s32 s9, $0x0  }
0x9: {  	s12 =	sshrl.u32 s30, $0x1;
	s11 =	sshrl.u32 s11, $0x2;
	s7 =	sadd.s32 s7, s6  }
0xa: {  	s6 =	sadd.s32 $0x3400, s8;
	s12 =	ssub.s32 s30, s12;
	s14 =	sadd.s32 s11, s3  }
0xb: {  	s11 =	sadd.s32 $0x500, s13;
	s10 =	sshrl.u32 s7, $0x3;
	s7 =	sadd.s32 $0xD400, s8  }
0xc: {  	s11 =	smov.u32 @p0 s13;
	s13 =	simm.s32 $0x1;
	s10 =	sadd.s32 s10, s8  }
0xd: {  	s8 =	sor.u32 $0x1C01, s31;
	s11 =	sshll.u32 s11, $0x4;
	s9 =	sadd.s32 $0x10400, s10  }
0xe: {  	s10 =	smax.u32 s12, $0x1;
	s12 =	sshrl.u32 s14, $0x3;
	s14 =	simm.s32 $0x16400  }
.LBB2_1:
0xf: {  	[spmem:s12], [sflag:s8] =	dma.local [hbm:s7], $0x2780  }
0x10: {  	_ =	swait.ge [sflag:s13], $0x2780  }
0x11: {  	s17 =	simm.s32 $0xFFFFFFD8;
	[sflag:s13] =	ssyncset.done $0x0  }
0x12: {  	s17 =	smin.u32 s4, s17;
	[sflag:s13] =	ssyncadd.s32 $0xFFFFD880  }
0x13: {  	[tilespmem:s14], [sflag:$0x1] =	stream.linear.gather [hbm4b:s5+s4], $0x4000, $0x38;
	[tilespmem:$0x1A400] =	vst v63  }
0x14: {  	p0 =	sne.s32 s17, $0x0;
	_ =	swait.ge [sflag:s13], $0x4000  }
0x15: {  	s18 =	sand.u32 @!p0 $0xFFFFF80, s11;
	[sflag:s13] =	ssyncset.done $0x0  }
0x16: {  	s19 =	simm.s32 @!p0 $0x1;
	s21 =	simm.s32 @!p0 $0x0;
	[sflag:s13] =	ssyncadd.s32 $0xFFFFC000  }
0x17: {  	s22 =	simm.s32 @!p0 $0x13C00;
	s20 =	sadd.s32 @!p0 s6, s18;
	[bflag:$0x0] =	sbarrier.arrive $0xFFFF  }
0x18: {  	[tilespmem:s22], [sflag:$0x1] =	stream.linear.gather @!p0 [hbm4b:s20+s21], $0x1400, $0x38;
	[tilespmem:$0x1A400] =	vst v63  }
0x19: {  	_ =	swait.ge @!p0 [sflag:s19], $0x1400  }
0x1a: {  	[sflag:s19] =	ssyncset.done @!p0 $0x0  }
0x1b: {  	s18 =	sadd.s32 @!p0 s2, s18;
	s20 =	simm.s32 @!p0 $0x15000;
	[sflag:s19] =	ssyncadd.s32 @!p0 $0xFFFFEC00  }
0x1c: {  	[tilespmem:s20], [sflag:$0x1] =	stream.linear.gather @!p0 [hbm4b:s18+s21], $0x1400, $0x38;
	[tilespmem:$0x1A400] =	vst v63  }
0x1d: {  	_ =	swait.ge @!p0 [sflag:s19], $0x1400  }
0x1e: {  	[sflag:s19] =	ssyncset.done @!p0 $0x0  }
0x1f: {  	s17 =	sshll.u32 s17, $0x7;
	[sflag:s19] =	ssyncadd.s32 @!p0 $0xFFFFEC00;
	p0 =	por $0x1, $0x1  }
.Ltmp0:
0x20: {  	s17 =	sand.u32 $0x3FFFFF80, s17;
	(pc) =	sbr.rel @!p0 .LBB2_3-.Ltmp0, $4  }
0x21: {  	s17 =	sadd.s32 $0x15000, s17  }
0x22: {  	[spmem:s3] =	stream.indirect.scatter.add.f32 [tilespmem:s14], [sflag:$0x1], $0x80, s17, s15, $0xb8;
	[tilespmem:$0x1A400] =	vst v63  }
0x23: {  	_ =	swait.ge [sflag:s13], $0x4000  }
0x24: {  	s18 =	smov.u32 s11;
	s17 =	simm.s32 $0x1;
	[sflag:s13] =	ssyncset.done $0x0  }
.LBB2_2:
0x25: {  	[sflag:s13] =	ssyncadd.s32 $0xFFFFC000;
	s18 =	sadd.s32 $0x10, s18  }
0x26: {  	s19 =	sadd.s32 $0xFFFFFFD8, s17  }
0x27: {  	s20 =	smin.u32 s17, s19;
	s17 =	sadd.s32 $0x29, s19  }
0x28: {  	p1 =	sne.s32 s20, $0x0;
	s19 =	sshll.u32 s20, $0x7;
	p0 =	sne.s32 s17, $0x50  }
0x29: {  	s20 =	sand.u32 @!p1 $0xFFFFF80, s18;
	s21 =	simm.s32 @!p1 $0x1;
	s19 =	sand.u32 $0x3FFFFF80, s19  }
0x2a: {  	s23 =	simm.s32 @!p1 $0x0;
	s24 =	simm.s32 @!p1 $0x13C00;
	s22 =	sadd.s32 @!p1 s6, s20  }
0x2b: {  	[tilespmem:s24], [sflag:$0x1] =	stream.linear.gather @!p1 [hbm4b:s22+s23], $0x1400, $0x38;
	[tilespmem:$0x1A400] =	vst v63  }
0x2c: {  	s20 =	sadd.s32 @!p1 s2, s20;
	_ =	swait.ge @!p1 [sflag:s21], $0x1400  }
0x2d: {  	[sflag:s21] =	ssyncset.done @!p1 $0x0  }
0x2e: {  	s22 =	simm.s32 @!p1 $0x15000;
	[sflag:s21] =	ssyncadd.s32 @!p1 $0xFFFFEC00  }
0x2f: {  	[tilespmem:s22], [sflag:$0x1] =	stream.linear.gather @!p1 [hbm4b:s20+s23], $0x1400, $0x38;
	[tilespmem:$0x1A400] =	vst v63  }
0x30: {  	_ =	swait.ge @!p1 [sflag:s21], $0x1400  }
.Ltmp1:
0x31: {  	[sflag:s21] =	ssyncset.done @!p1 $0x0;
	(pc) =	sbr.rel @p0 .LBB2_2-.Ltmp1, $4  }
0x32: {  	s19 =	sadd.s32 $0x15000, s19;
	[sflag:s21] =	ssyncadd.s32 @!p1 $0xFFFFEC00  }
0x33: {  	[spmem:s3] =	stream.indirect.scatter.add.f32 [tilespmem:s14], [sflag:$0x1], $0x80, s19, s15, $0xb8;
	[tilespmem:$0x1A400] =	vst v63  }
0x34: {  	_ =	swait.ge [sflag:s13], $0x4000  }
0x35: {  	[sflag:s13] =	ssyncset.done $0x0  }
.LBB2_3:
0x36: {  	s16 =	sadd.s32 $0x1, s16  }
0x37: {  	[sflag:s13] =	ssyncadd.s32 $0xFFFFC000;
	p0 =	sne.s32 s16, s10  }
.Ltmp2:
0x38: {  	[bflag:$0x0] =	sbarrier.arrive $0xFFFF;
	(pc) =	sbr.rel @p0 .LBB2_1-.Ltmp2, $4  }
0x39: {  	[hbm:s9], [sflag:s8] =	dma.local [spmem:s12], $0x2780  }
0x3a: {  	_ =	swait.ge [sflag:s13], $0x2780  }
0x3b: {  	[sflag:s13] =	ssyncset.done $0x0  }
0x3c: {  	[sflag:s13] =	ssyncadd.s32 $0xFFFFD880  }
0x3d: {  	_ =	sfence.sel $0x180000  }
0x3e: {  	[bflag:$0x0] =	sbarrier.arrive $0xFFFF  }
0x3f: {  	p0 =	sne.s32 s1, $0x0;
	_ =	strace $0x90000047  }
0x40: {  	s0 =	sadd.s32 @!p0 $0x100000, s0;
	[bflag:$0x2] =	sbarrier.arrive $0xFFFF  }
0x41: {  	[sflag:s0] =	ssyncadd.tile.s32 @!p0 $0x1;
	_ =	shalt  }
.Lfunc_end2:
_tile_overlayer_lowered:
.L_overlay_start_2:
0x42: {  	(tag) =	ssettag $0x2  }
0x43: {  	s0 =	rddreg [dreg:$0x0];
	s2 =	stileid.u32  }
0x44: {  	s1 =	rddreg [dreg:$0x1];
	p0 =	sne.s32 s2, $0x0  }
0x45: {  	s3 =	rddreg [dreg:$0x2];
	[bflag:$0x3] =	sbarrier.arrive $0xFFFF;
	s2 =	simm.s32 @!p0 $0x1C01  }
0x46: {  	[timem:s3], [sflag:s2] =	dma.local @!p0 [hbm:s0], s1  }
0x47: {  	s0 =	simm.s32 @!p0 $0x1  }
0x48: {  	_ =	swait.ge @!p0 [sflag:s0], s1  }
0x49: {  	s1 =	ssub.s32 @!p0 $0x0, s1;
	[sflag:s0] =	ssyncset.done @!p0 $0x0  }
0x4a: {  	[sflag:s0] =	ssyncadd.s32 @!p0 s1  }
0x4b: {  	[bflag:$0x3] =	sbarrier.arrive $0xFFFF  }
0x4c: {  	_ =	shalt  }

</sc_bundles>
